<compile_context>
chip_gen: v7x
topology: tpu7x:2x2x1
jax: 0.10.2.dev20260603
libtpu: 0.0.44.dev20260713+nightly
codegen_flags: <defaults>
</compile_context>

<pallas_src>
import jax
import jax.numpy as jnp
from jax import lax
from jax.experimental import pallas as pl
from jax.experimental.pallas import tpu as pltpu
from jax.experimental.pallas import tpu_sc as plsc

_B = 1024
_L = 512
_D = 128

_NC = 2
_NS = 16
_NW = _NC * _NS
_LANES = 16

_ROWS = _B * _L
_RPW = _ROWS // _NW
_CHUNK = 128
_STEPS = _RPW // _CHUNK
_DEPTH = 4
_DP = _D // 2


def _apply_row(comb_v, buf, r, cix):
    for j in range(_D // (2 * _LANES)):
        sl = pl.ds(j * _LANES, _LANES)
        sh = pl.ds(_DP + j * _LANES, _LANES)
        vc = comb_v[cix, sl]
        clo = lax.bitcast_convert_type(vc << 16, jnp.float32)
        chi = lax.bitcast_convert_type(
            jnp.bitwise_and(vc, jnp.int32(-65536)), jnp.float32)
        plsc.addupdate(buf.at[r, sl], clo)
        plsc.addupdate(buf.at[r, sh], chi)


def _sc_body(tok_hbm, combp_hbm, seq_hbm, cidx_hbm, out_hbm,
             itok, icmb,
             a0, a1, a2, a3, b0, b1, b2, b3,
             g0, g1, g2, g3, w0, w1, w2, w3, i0, i1, i2, i3):
    bufs_a = (a0, a1, a2, a3)
    bufs_b = (b0, b1, b2, b3)
    gsem = (g0, g1, g2, g3)
    wsem = (w0, w1, w2, w3)
    isem = (i0, i1, i2, i3)

    wid = lax.axis_index("s") * _NC + lax.axis_index("c")
    base = wid * _RPW

    def fire_idx(t, p):
        pltpu.async_copy(seq_hbm.at[wid, t], itok.at[p], isem[p])
        pltpu.async_copy(cidx_hbm.at[wid, t], icmb.at[p], isem[p])

    def wait_idx(p):
        pltpu.make_async_copy(seq_hbm.at[0, 0], itok.at[p], isem[p]).wait()
        pltpu.make_async_copy(cidx_hbm.at[0, 0], icmb.at[p], isem[p]).wait()

    def fire(p):
        pltpu.async_copy(tok_hbm.at[itok.at[p]], bufs_a[p], gsem[p])
        pltpu.async_copy(combp_hbm.at[icmb.at[p]], bufs_b[p], gsem[p])

    fire_idx(0, 0)
    fire_idx(1, 1)
    wait_idx(0)
    fire(0)

    def outer(i, carry):
        for p in range(_DEPTH):
            t = _DEPTH * i + p
            tn = t + 1
            pn = (p + 1) % _DEPTH
            p2 = (p + 2) % _DEPTH

            @pl.when(jnp.logical_and(t >= _DEPTH - 1, tn < _STEPS))
            def _():
                pltpu.make_async_copy(
                    bufs_a[pn], out_hbm.at[pl.ds(0, _CHUNK)], wsem[pn]).wait()

            @pl.when(tn < _STEPS)
            def _():
                wait_idx(pn)
                fire(pn)

            @pl.when(t + 2 < _STEPS)
            def _():
                fire_idx(t + 2, p2)

            pltpu.make_async_copy(
                tok_hbm.at[itok.at[0]], bufs_a[p], gsem[p]).wait()
            pltpu.make_async_copy(
                combp_hbm.at[icmb.at[0]], bufs_b[p], gsem[p]).wait()

            @plsc.parallel_loop(0, _CHUNK, 1, unroll=4)
            def _(r):
                _apply_row(bufs_b[p], bufs_a[p], r, r)

            off = base + t * _CHUNK
            pltpu.async_copy(bufs_a[p], out_hbm.at[pl.ds(off, _CHUNK)],
                             wsem[p])
        return carry

    lax.fori_loop(0, _STEPS // _DEPTH, outer, 0)

    for p in range(_DEPTH):
        pltpu.make_async_copy(
            bufs_a[p], out_hbm.at[pl.ds(0, _CHUNK)], wsem[p]).wait()


def _pack_bf16(tab):
    bits = lax.bitcast_convert_type(
        tab.astype(jnp.bfloat16), jnp.uint16).astype(jnp.uint32)
    return lax.bitcast_convert_type(
        bits[:, :_DP] | (bits[:, _DP:] << 16), jnp.int32)


def kernel(seq, seg, tok_embed, seg_embed, pos_embed):
    combp = _pack_bf16(
        (pos_embed[:, None, :] + seg_embed[None, :, :]).reshape(2 * _L, _D))
    cidx = (2 * jnp.arange(_L, dtype=jnp.int32)[None, :]
            + seg.astype(jnp.int32)).reshape(_NW, _STEPS, _CHUNK)
    seq_r = seq.astype(jnp.int32).reshape(_NW, _STEPS, _CHUNK)

    mesh = plsc.VectorSubcoreMesh(core_axis_name="c", subcore_axis_name="s",
                                  num_cores=_NC, num_subcores=_NS)
    run = pl.kernel(
        _sc_body,
        out_type=jax.ShapeDtypeStruct((_ROWS, _D), jnp.float32),
        mesh=mesh,
        compiler_params=pltpu.CompilerParams(
            needs_layout_passes=False,
            use_tc_tiling_on_sc=False),
        scratch_types=(
            [pltpu.VMEM((_DEPTH, _CHUNK), jnp.int32)] * 2
            + [pltpu.VMEM((_CHUNK, _D), jnp.float32)] * _DEPTH
            + [pltpu.VMEM((_CHUNK, _DP), jnp.int32)] * _DEPTH
            + [pltpu.SemaphoreType.DMA] * (3 * _DEPTH)
        ),
    )
    out = run(tok_embed, combp, seq_r, cidx)
    return out.reshape(_B, _L, _D)

# --- scband reference (transcript-rebuilt; emitter-appended) ---
"""Pipeline reference for scband-bert-embedding-33689723470311 (READ-ONLY COPY).

The authoritative reference and input builder live on the scoring server;
editing this copy changes nothing except your own understanding.
"""

import jax, jax.numpy as jnp
import numpy as np

VOCAB_SIZE = 100000
N_SEGMENTS = 2
MAX_LEN = 512
EMBED_DIM = 128
BATCH = 1024


def setup_inputs(seed: int = 0) -> dict:
    key = jax.random.key(seed)
    k1, k2, k3, k4, k5 = jax.random.split(key, 5)
    seq = jax.random.randint(k1, (BATCH, MAX_LEN), 0, VOCAB_SIZE, dtype=jnp.int64 if jax.config.jax_enable_x64 else jnp.int32)
    seg = jax.random.randint(k2, (BATCH, MAX_LEN), 0, N_SEGMENTS, dtype=jnp.int64 if jax.config.jax_enable_x64 else jnp.int32)
    tok_embed = jax.random.normal(k3, (VOCAB_SIZE, EMBED_DIM), dtype=jnp.float32)
    seg_embed = jax.random.normal(k4, (N_SEGMENTS, EMBED_DIM), dtype=jnp.float32)
    pos_embed = jax.random.normal(k5, (MAX_LEN, EMBED_DIM), dtype=jnp.float32)
    return {"seq": seq, "seg": seg, "tok_embed": tok_embed, "seg_embed": seg_embed, "pos_embed": pos_embed}


def reference(seq, seg, tok_embed, seg_embed, pos_embed):
    pos_inp = jnp.arange(MAX_LEN)
    # tok_embed(seq) + seg_embed(seg) + pos_embed(pos_inp)
    tok = jnp.take(tok_embed, seq, axis=0)            # [B, L, D]
    sgm = jnp.take(seg_embed, seg, axis=0)            # [B, L, D]
    pos = jnp.take(pos_embed, pos_inp, axis=0)        # [L, D] broadcast over batch
    embed_val1 = tok + sgm + pos
    return embed_val1

if __name__ == "__main__":
    import jax
    _d = setup_inputs()
    print(jax.jit(kernel)(*tuple(_d.values())))

</pallas_src>

<mosaic_0001>
#map = affine_map<(d0, d1) -> (0, 0)>
#map1 = affine_map<(d0, d1) -> (0, 0, 0)>
module attributes {stable_mosaic.version = 14 : i64} {
  func.func @_sc_body(%arg0: i32, %arg1: i32, %arg2: memref<100000x128xf32, #tpu.memory_space<hbm>>, %arg3: memref<1024x64xi32, #tpu.memory_space<hbm>>, %arg4: memref<32x128x128xi32, #tpu.memory_space<hbm>>, %arg5: memref<32x128x128xi32, #tpu.memory_space<hbm>>, %arg6: memref<524288x128xf32, #tpu.memory_space<hbm>>, %arg7: memref<4x128xi32, #tpu.memory_space<vmem>>, %arg8: memref<4x128xi32, #tpu.memory_space<vmem>>, %arg9: memref<128x128xf32, #tpu.memory_space<vmem>>, %arg10: memref<128x128xf32, #tpu.memory_space<vmem>>, %arg11: memref<128x128xf32, #tpu.memory_space<vmem>>, %arg12: memref<128x128xf32, #tpu.memory_space<vmem>>, %arg13: memref<128x64xi32, #tpu.memory_space<vmem>>, %arg14: memref<128x64xi32, #tpu.memory_space<vmem>>, %arg15: memref<128x64xi32, #tpu.memory_space<vmem>>, %arg16: memref<128x64xi32, #tpu.memory_space<vmem>>, %arg17: memref<!tpu.dma_semaphore, #tpu.memory_space<semaphore_mem>>, %arg18: memref<!tpu.dma_semaphore, #tpu.memory_space<semaphore_mem>>, %arg19: memref<!tpu.dma_semaphore, #tpu.memory_space<semaphore_mem>>, %arg20: memref<!tpu.dma_semaphore, #tpu.memory_space<semaphore_mem>>, %arg21: memref<!tpu.dma_semaphore, #tpu.memory_space<semaphore_mem>>, %arg22: memref<!tpu.dma_semaphore, #tpu.memory_space<semaphore_mem>>, %arg23: memref<!tpu.dma_semaphore, #tpu.memory_space<semaphore_mem>>, %arg24: memref<!tpu.dma_semaphore, #tpu.memory_space<semaphore_mem>>, %arg25: memref<!tpu.dma_semaphore, #tpu.memory_space<semaphore_mem>>, %arg26: memref<!tpu.dma_semaphore, #tpu.memory_space<semaphore_mem>>, %arg27: memref<!tpu.dma_semaphore, #tpu.memory_space<semaphore_mem>>, %arg28: memref<!tpu.dma_semaphore, #tpu.memory_space<semaphore_mem>>) attributes {dimension_semantics = [#tpu.dimension_semantics<core_parallel>, #tpu.dimension_semantics<subcore_parallel>], iteration_bounds = array<i64: 2, 16>, scalar_prefetch = 0 : i64, scratch_operands = 22 : i64, tpu.core_type = #tpu.core_type<sc_vector_subcore>, window_params = [{transform_indices = #map}, {transform_indices = #map}, {transform_indices = #map1}, {transform_indices = #map1}, {transform_indices = #map}]} {
    %mul3A = arith.constant 2 : i32
    %mul3A_0 = arith.muli %arg1, %mul3A : i32
    %add3A = arith.addi %mul3A_0, %arg0 : i32
    %mul3A_1 = arith.constant 16384 : i32
    %mul3A_2 = arith.muli %add3A, %mul3A_1 : i32
    %dma_start3A = arith.constant 0 : i32
    %dma_start3A_3 = arith.constant 0 : i32
    %dma_start3A_4 = arith.constant 0 : i32
    %dma_start3A_5 = tpu.memref_slice %arg7[%dma_start3A_3, %dma_start3A_4] : memref<4x128xi32, #tpu.memory_space<vmem>> -> memref<1x128xi32, #tpu.memory_space<vmem>>
    %dma_start3A_6 = tpu.memref_squeeze %dma_start3A_5 : memref<1x128xi32, #tpu.memory_space<vmem>> -> memref<128xi32, #tpu.memory_space<vmem>>
    %dma_start3A_7 = arith.constant 0 : i32
    %dma_start3A_8 = tpu.memref_slice %arg4[%add3A, %dma_start3A, %dma_start3A_7] : memref<32x128x128xi32, #tpu.memory_space<hbm>> -> memref<1x1x128xi32, #tpu.memory_space<hbm>>
    %dma_start3A_9 = tpu.memref_squeeze %dma_start3A_8 : memref<1x1x128xi32, #tpu.memory_space<hbm>> -> memref<128xi32, #tpu.memory_space<hbm>>
    %dma_start3A_10 = arith.constant 0 : i32
    %dma_start3A_11 = tpu.memref_slice %arg7[%dma_start3A_3, %dma_start3A_10] : memref<4x128xi32, #tpu.memory_space<vmem>> -> memref<1x128xi32, #tpu.memory_space<vmem>>
    %dma_start3A_12 = tpu.memref_squeeze %dma_start3A_11 : memref<1x128xi32, #tpu.memory_space<vmem>> -> memref<128xi32, #tpu.memory_space<vmem>>
    %dma_start3A_13 = arith.constant 0 : i32
    %dma_start3A_14 = tpu.memref_slice %arg4[%add3A, %dma_start3A, %dma_start3A_13] : memref<32x128x128xi32, #tpu.memory_space<hbm>> -> memref<1x1x128xi32, #tpu.memory_space<hbm>>
    %dma_start3A_15 = tpu.memref_squeeze %dma_start3A_14 : memref<1x1x128xi32, #tpu.memory_space<hbm>> -> memref<128xi32, #tpu.memory_space<hbm>>
    tpu.enqueue_dma source(%dma_start3A_15 : memref<128xi32, #tpu.memory_space<hbm>>) target(%dma_start3A_12 : memref<128xi32, #tpu.memory_space<vmem>>) target_semaphore(%arg25 : memref<!tpu.dma_semaphore, #tpu.memory_space<semaphore_mem>>)
    %dma_start3A_16 = arith.constant 0 : i32
    %dma_start3A_17 = arith.constant 0 : i32
    %dma_start3A_18 = arith.constant 0 : i32
    %dma_start3A_19 = tpu.memref_slice %arg8[%dma_start3A_17, %dma_start3A_18] : memref<4x128xi32, #tpu.memory_space<vmem>> -> memref<1x128xi32, #tpu.memory_space<vmem>>
    %dma_start3A_20 = tpu.memref_squeeze %dma_start3A_19 : memref<1x128xi32, #tpu.memory_space<vmem>> -> memref<128xi32, #tpu.memory_space<vmem>>
    %dma_start3A_21 = arith.constant 0 : i32
    %dma_start3A_22 = tpu.memref_slice %arg5[%add3A, %dma_start3A_16, %dma_start3A_21] : memref<32x128x128xi32, #tpu.memory_space<hbm>> -> memref<1x1x128xi32, #tpu.memory_space<hbm>>
    %dma_start3A_23 = tpu.memref_squeeze %dma_start3A_22 : memref<1x1x128xi32, #tpu.memory_space<hbm>> -> memref<128xi32, #tpu.memory_space<hbm>>
    %dma_start3A_24 = arith.constant 0 : i32
    %dma_start3A_25 = tpu.memref_slice %arg8[%dma_start3A_17, %dma_start3A_24] : memref<4x128xi32, #tpu.memory_space<vmem>> -> memref<1x128xi32, #tpu.memory_space<vmem>>
    %dma_start3A_26 = tpu.memref_squeeze %dma_start3A_25 : memref<1x128xi32, #tpu.memory_space<vmem>> -> memref<128xi32, #tpu.memory_space<vmem>>
    %dma_start3A_27 = arith.constant 0 : i32
    %dma_start3A_28 = tpu.memref_slice %arg5[%add3A, %dma_start3A_16, %dma_start3A_27] : memref<32x128x128xi32, #tpu.memory_space<hbm>> -> memref<1x1x128xi32, #tpu.memory_space<hbm>>
    %dma_start3A_29 = tpu.memref_squeeze %dma_start3A_28 : memref<1x1x128xi32, #tpu.memory_space<hbm>> -> memref<128xi32, #tpu.memory_space<hbm>>
    tpu.enqueue_dma source(%dma_start3A_29 : memref<128xi32, #tpu.memory_space<hbm>>) target(%dma_start3A_26 : memref<128xi32, #tpu.memory_space<vmem>>) target_semaphore(%arg25 : memref<!tpu.dma_semaphore, #tpu.memory_space<semaphore_mem>>)
    %dma_start3A_30 = arith.constant 1 : i32
    %dma_start3A_31 = arith.constant 1 : i32
    %dma_start3A_32 = arith.constant 0 : i32
    %dma_start3A_33 = tpu.memref_slice %arg7[%dma_start3A_31, %dma_start3A_32] : memref<4x128xi32, #tpu.memory_space<vmem>> -> memref<1x128xi32, #tpu.memory_space<vmem>>
    %dma_start3A_34 = tpu.memref_squeeze %dma_start3A_33 : memref<1x128xi32, #tpu.memory_space<vmem>> -> memref<128xi32, #tpu.memory_space<vmem>>
    %dma_start3A_35 = arith.constant 0 : i32
    %dma_start3A_36 = tpu.memref_slice %arg4[%add3A, %dma_start3A_30, %dma_start3A_35] : memref<32x128x128xi32, #tpu.memory_space<hbm>> -> memref<1x1x128xi32, #tpu.memory_space<hbm>>
    %dma_start3A_37 = tpu.memref_squeeze %dma_start3A_36 : memref<1x1x128xi32, #tpu.memory_space<hbm>> -> memref<128xi32, #tpu.memory_space<hbm>>
    %dma_start3A_38 = arith.constant 0 : i32
    %dma_start3A_39 = tpu.memref_slice %arg7[%dma_start3A_31, %dma_start3A_38] : memref<4x128xi32, #tpu.memory_space<vmem>> -> memref<1x128xi32, #tpu.memory_space<vmem>>
    %dma_start3A_40 = tpu.memref_squeeze %dma_start3A_39 : memref<1x128xi32, #tpu.memory_space<vmem>> -> memref<128xi32, #tpu.memory_space<vmem>>
    %dma_start3A_41 = arith.constant 0 : i32
    %dma_start3A_42 = tpu.memref_slice %arg4[%add3A, %dma_start3A_30, %dma_start3A_41] : memref<32x128x128xi32, #tpu.memory_space<hbm>> -> memref<1x1x128xi32, #tpu.memory_space<hbm>>
    %dma_start3A_43 = tpu.memref_squeeze %dma_start3A_42 : memref<1x1x128xi32, #tpu.memory_space<hbm>> -> memref<128xi32, #tpu.memory_space<hbm>>
    tpu.enqueue_dma source(%dma_start3A_43 : memref<128xi32, #tpu.memory_space<hbm>>) target(%dma_start3A_40 : memref<128xi32, #tpu.memory_space<vmem>>) target_semaphore(%arg26 : memref<!tpu.dma_semaphore, #tpu.memory_space<semaphore_mem>>)
    %dma_start3A_44 = arith.constant 1 : i32
    %dma_start3A_45 = arith.constant 1 : i32
    %dma_start3A_46 = arith.constant 0 : i32
    %dma_start3A_47 = tpu.memref_slice %arg8[%dma_start3A_45, %dma_start3A_46] : memref<4x128xi32, #tpu.memory_space<vmem>> -> memref<1x128xi32, #tpu.memory_space<vmem>>
    %dma_start3A_48 = tpu.memref_squeeze %dma_start3A_47 : memref<1x128xi32, #tpu.memory_space<vmem>> -> memref<128xi32, #tpu.memory_space<vmem>>
    %dma_start3A_49 = arith.constant 0 : i32
    %dma_start3A_50 = tpu.memref_slice %arg5[%add3A, %dma_start3A_44, %dma_start3A_49] : memref<32x128x128xi32, #tpu.memory_space<hbm>> -> memref<1x1x128xi32, #tpu.memory_space<hbm>>
    %dma_start3A_51 = tpu.memref_squeeze %dma_start3A_50 : memref<1x1x128xi32, #tpu.memory_space<hbm>> -> memref<128xi32, #tpu.memory_space<hbm>>
    %dma_start3A_52 = arith.constant 0 : i32
    %dma_start3A_53 = tpu.memref_slice %arg8[%dma_start3A_45, %dma_start3A_52] : memref<4x128xi32, #tpu.memory_space<vmem>> -> memref<1x128xi32, #tpu.memory_space<vmem>>
    %dma_start3A_54 = tpu.memref_squeeze %dma_start3A_53 : memref<1x128xi32, #tpu.memory_space<vmem>> -> memref<128xi32, #tpu.memory_space<vmem>>
    %dma_start3A_55 = arith.constant 0 : i32
    %dma_start3A_56 = tpu.memref_slice %arg5[%add3A, %dma_start3A_44, %dma_start3A_55] : memref<32x128x128xi32, #tpu.memory_space<hbm>> -> memref<1x1x128xi32, #tpu.memory_space<hbm>>
    %dma_start3A_57 = tpu.memref_squeeze %dma_start3A_56 : memref<1x1x128xi32, #tpu.memory_space<hbm>> -> memref<128xi32, #tpu.memory_space<hbm>>
    tpu.enqueue_dma source(%dma_start3A_57 : memref<128xi32, #tpu.memory_space<hbm>>) target(%dma_start3A_54 : memref<128xi32, #tpu.memory_space<vmem>>) target_semaphore(%arg26 : memref<!tpu.dma_semaphore, #tpu.memory_space<semaphore_mem>>)
    %dma_wait3A = arith.constant 0 : i32
    %dma_wait3A_58 = arith.constant 0 : i32
    %dma_wait3A_59 = arith.constant 0 : i32
    %dma_wait3A_60 = arith.constant 0 : i32
    %dma_wait3A_61 = tpu.memref_slice %arg7[%dma_wait3A_59, %dma_wait3A_60] : memref<4x128xi32, #tpu.memory_space<vmem>> -> memref<1x128xi32, #tpu.memory_space<vmem>>
    %dma_wait3A_62 = tpu.memref_squeeze %dma_wait3A_61 : memref<1x128xi32, #tpu.memory_space<vmem>> -> memref<128xi32, #tpu.memory_space<vmem>>
    %dma_wait3A_63 = arith.constant 0 : i32
    %dma_wait3A_64 = tpu.memref_slice %arg4[%dma_wait3A, %dma_wait3A_58, %dma_wait3A_63] : memref<32x128x128xi32, #tpu.memory_space<hbm>> -> memref<1x1x128xi32, #tpu.memory_space<hbm>>
    %dma_wait3A_65 = tpu.memref_squeeze %dma_wait3A_64 : memref<1x1x128xi32, #tpu.memory_space<hbm>> -> memref<128xi32, #tpu.memory_space<hbm>>
    %dma_wait3A_66 = arith.constant 0 : i32
    %dma_wait3A_67 = tpu.memref_slice %arg7[%dma_wait3A_59, %dma_wait3A_66] : memref<4x128xi32, #tpu.memory_space<vmem>> -> memref<1x128xi32, #tpu.memory_space<vmem>>
    %dma_wait3A_68 = tpu.memref_squeeze %dma_wait3A_67 : memref<1x128xi32, #tpu.memory_space<vmem>> -> memref<128xi32, #tpu.memory_space<vmem>>
    %dma_wait3A_69 = arith.constant 0 : i32
    %dma_wait3A_70 = tpu.memref_slice %arg4[%dma_wait3A, %dma_wait3A_58, %dma_wait3A_69] : memref<32x128x128xi32, #tpu.memory_space<hbm>> -> memref<1x1x128xi32, #tpu.memory_space<hbm>>
    %dma_wait3A_71 = tpu.memref_squeeze %dma_wait3A_70 : memref<1x1x128xi32, #tpu.memory_space<hbm>> -> memref<128xi32, #tpu.memory_space<hbm>>
    tpu.wait_dma2 semaphore(%arg25 : memref<!tpu.dma_semaphore, #tpu.memory_space<semaphore_mem>>) src(%dma_wait3A_71 : memref<128xi32, #tpu.memory_space<hbm>>) dst(%dma_wait3A_68 : memref<128xi32, #tpu.memory_space<vmem>>)
    %dma_wait3A_72 = arith.constant 0 : i32
    %dma_wait3A_73 = arith.constant 0 : i32
    %dma_wait3A_74 = arith.constant 0 : i32
    %dma_wait3A_75 = arith.constant 0 : i32
    %dma_wait3A_76 = tpu.memref_slice %arg8[%dma_wait3A_74, %dma_wait3A_75] : memref<4x128xi32, #tpu.memory_space<vmem>> -> memref<1x128xi32, #tpu.memory_space<vmem>>
    %dma_wait3A_77 = tpu.memref_squeeze %dma_wait3A_76 : memref<1x128xi32, #tpu.memory_space<vmem>> -> memref<128xi32, #tpu.memory_space<vmem>>
    %dma_wait3A_78 = arith.constant 0 : i32
    %dma_wait3A_79 = tpu.memref_slice %arg5[%dma_wait3A_72, %dma_wait3A_73, %dma_wait3A_78] : memref<32x128x128xi32, #tpu.memory_space<hbm>> -> memref<1x1x128xi32, #tpu.memory_space<hbm>>
    %dma_wait3A_80 = tpu.memref_squeeze %dma_wait3A_79 : memref<1x1x128xi32, #tpu.memory_space<hbm>> -> memref<128xi32, #tpu.memory_space<hbm>>
    %dma_wait3A_81 = arith.constant 0 : i32
    %dma_wait3A_82 = tpu.memref_slice %arg8[%dma_wait3A_74, %dma_wait3A_81] : memref<4x128xi32, #tpu.memory_space<vmem>> -> memref<1x128xi32, #tpu.memory_space<vmem>>
    %dma_wait3A_83 = tpu.memref_squeeze %dma_wait3A_82 : memref<1x128xi32, #tpu.memory_space<vmem>> -> memref<128xi32, #tpu.memory_space<vmem>>
    %dma_wait3A_84 = arith.constant 0 : i32
    %dma_wait3A_85 = tpu.memref_slice %arg5[%dma_wait3A_72, %dma_wait3A_73, %dma_wait3A_84] : memref<32x128x128xi32, #tpu.memory_space<hbm>> -> memref<1x1x128xi32, #tpu.memory_space<hbm>>
    %dma_wait3A_86 = tpu.memref_squeeze %dma_wait3A_85 : memref<1x1x128xi32, #tpu.memory_space<hbm>> -> memref<128xi32, #tpu.memory_space<hbm>>
    tpu.wait_dma2 semaphore(%arg25 : memref<!tpu.dma_semaphore, #tpu.memory_space<semaphore_mem>>) src(%dma_wait3A_86 : memref<128xi32, #tpu.memory_space<hbm>>) dst(%dma_wait3A_83 : memref<128xi32, #tpu.memory_space<vmem>>)
    %dma_start3A_87 = arith.constant 0 : i32
    %dma_start3A_88 = arith.constant 0 : i32
    %dma_start3A_89 = tpu.memref_slice %arg7[%dma_start3A_87, %dma_start3A_88] : memref<4x128xi32, #tpu.memory_space<vmem>> -> memref<1x128xi32, #tpu.memory_space<vmem>>
    %dma_start3A_90 = tpu.memref_squeeze %dma_start3A_89 : memref<1x128xi32, #tpu.memory_space<vmem>> -> memref<128xi32, #tpu.memory_space<vmem>>
    %dma_start3A_91 = arith.constant 0 : i32
    %dma_start3A_92 = arith.constant 0 : i32
    %dma_start3A_93 = tpu.memref_slice %arg2[%dma_start3A_91, %dma_start3A_92] : memref<100000x128xf32, #tpu.memory_space<hbm>> -> memref<100000x128xf32, #tpu.memory_space<hbm>>
    tpu.enqueue_indirect_dma source(%dma_start3A_93 : memref<100000x128xf32, #tpu.memory_space<hbm>>) target(%arg9 : memref<128x128xf32, #tpu.memory_space<vmem>>) offsets(%dma_start3A_90 : memref<128xi32, #tpu.memory_space<vmem>>) semaphore(%arg17 : memref<!tpu.dma_semaphore, #tpu.memory_space<semaphore_mem>>)
    %dma_start3A_94 = arith.constant 0 : i32
    %dma_start3A_95 = arith.constant 0 : i32
    %dma_start3A_96 = tpu.memref_slice %arg8[%dma_start3A_94, %dma_start3A_95] : memref<4x128xi32, #tpu.memory_space<vmem>> -> memref<1x128xi32, #tpu.memory_space<vmem>>
    %dma_start3A_97 = tpu.memref_squeeze %dma_start3A_96 : memref<1x128xi32, #tpu.memory_space<vmem>> -> memref<128xi32, #tpu.memory_space<vmem>>
    %dma_start3A_98 = arith.constant 0 : i32
    %dma_start3A_99 = arith.constant 0 : i32
    %dma_start3A_100 = tpu.memref_slice %arg3[%dma_start3A_98, %dma_start3A_99] : memref<1024x64xi32, #tpu.memory_space<hbm>> -> memref<1024x64xi32, #tpu.memory_space<hbm>>
    tpu.enqueue_indirect_dma source(%dma_start3A_100 : memref<1024x64xi32, #tpu.memory_space<hbm>>) target(%arg13 : memref<128x64xi32, #tpu.memory_space<vmem>>) offsets(%dma_start3A_97 : memref<128xi32, #tpu.memory_space<vmem>>) semaphore(%arg17 : memref<!tpu.dma_semaphore, #tpu.memory_space<semaphore_mem>>)
    %scan3A = arith.constant 0 : i32
    %scan3A_101 = arith.constant 0 : i32
    %scan3A_102 = arith.constant 32 : i32
    %scan3A_103 = arith.addi %scan3A_101, %scan3A_102 : i32
    %scan3A_104 = arith.constant 1 : i32
    scf.for %scan3A_130 = %scan3A_101 to %scan3A_103 step %scan3A_104  : i32 {
      %mul3A_131 = arith.constant 4 : i32
      %mul3A_132 = arith.muli %mul3A_131, %scan3A_130 : i32
      %add3A_133 = arith.constant 0 : i32
      %add3A_134 = arith.addi %mul3A_132, %add3A_133 : i32
      %add3A_135 = arith.constant 1 : i32
      %add3A_136 = arith.addi %add3A_134, %add3A_135 : i32
      %ge3A = arith.constant 3 : i32
      %ge3A_137 = arith.cmpi sge, %add3A_134, %ge3A : i32
      %lt3A = arith.constant 128 : i32
      %lt3A_138 = arith.cmpi slt, %add3A_136, %lt3A : i32
      %and3A = arith.andi %ge3A_137, %lt3A_138 : i1
      %convert_element_type3A = arith.extui %and3A : i1 to i32
      %cond3A = arith.constant 0 : i32
      %cond3A_139 = arith.cmpi ne, %convert_element_type3A, %cond3A : i32
      scf.if %cond3A_139 {
        %dma_wait3A_325 = arith.constant 0 : i32
        %dma_wait3A_326 = arith.constant 0 : i32
        %dma_wait3A_327 = tpu.memref_slice %arg6[%dma_wait3A_325, %dma_wait3A_326] : memref<524288x128xf32, #tpu.memory_space<hbm>> -> memref<128x128xf32, #tpu.memory_space<hbm>>
        %dma_wait3A_328 = arith.constant 0 : i32
        %dma_wait3A_329 = arith.constant 0 : i32
        %dma_wait3A_330 = tpu.memref_slice %arg6[%dma_wait3A_328, %dma_wait3A_329] : memref<524288x128xf32, #tpu.memory_space<hbm>> -> memref<128x128xf32, #tpu.memory_space<hbm>>
        tpu.wait_dma2 semaphore(%arg22 : memref<!tpu.dma_semaphore, #tpu.memory_space<semaphore_mem>>) src(%arg10 : memref<128x128xf32, #tpu.memory_space<vmem>>) dst(%dma_wait3A_330 : memref<128x128xf32, #tpu.memory_space<hbm>>)
      } else {
      }
      %lt3A_140 = arith.constant 128 : i32
      %lt3A_141 = arith.cmpi slt, %add3A_136, %lt3A_140 : i32
      %convert_element_type3A_142 = arith.extui %lt3A_141 : i1 to i32
      %cond3A_143 = arith.constant 0 : i32
      %cond3A_144 = arith.cmpi ne, %convert_element_type3A_142, %cond3A_143 : i32
      scf.if %cond3A_144 {
        %dma_wait3A_325 = arith.constant 0 : i32
        %dma_wait3A_326 = arith.constant 0 : i32
        %dma_wait3A_327 = arith.constant 1 : i32
        %dma_wait3A_328 = arith.constant 0 : i32
        %dma_wait3A_329 = tpu.memref_slice %arg7[%dma_wait3A_327, %dma_wait3A_328] : memref<4x128xi32, #tpu.memory_space<vmem>> -> memref<1x128xi32, #tpu.memory_space<vmem>>
        %dma_wait3A_330 = tpu.memref_squeeze %dma_wait3A_329 : memref<1x128xi32, #tpu.memory_space<vmem>> -> memref<128xi32, #tpu.memory_space<vmem>>
        %dma_wait3A_331 = arith.constant 0 : i32
        %dma_wait3A_332 = tpu.memref_slice %arg4[%dma_wait3A_325, %dma_wait3A_326, %dma_wait3A_331] : memref<32x128x128xi32, #tpu.memory_space<hbm>> -> memref<1x1x128xi32, #tpu.memory_space<hbm>>
        %dma_wait3A_333 = tpu.memref_squeeze %dma_wait3A_332 : memref<1x1x128xi32, #tpu.memory_space<hbm>> -> memref<128xi32, #tpu.memory_space<hbm>>
        %dma_wait3A_334 = arith.constant 0 : i32
        %dma_wait3A_335 = tpu.memref_slice %arg7[%dma_wait3A_327, %dma_wait3A_334] : memref<4x128xi32, #tpu.memory_space<vmem>> -> memref<1x128xi32, #tpu.memory_space<vmem>>
        %dma_wait3A_336 = tpu.memref_squeeze %dma_wait3A_335 : memref<1x128xi32, #tpu.memory_space<vmem>> -> memref<128xi32, #tpu.memory_space<vmem>>
        %dma_wait3A_337 = arith.constant 0 : i32
        %dma_wait3A_338 = tpu.memref_slice %arg4[%dma_wait3A_325, %dma_wait3A_326, %dma_wait3A_337] : memref<32x128x128xi32, #tpu.memory_space<hbm>> -> memref<1x1x128xi32, #tpu.memory_space<hbm>>
        %dma_wait3A_339 = tpu.memref_squeeze %dma_wait3A_338 : memref<1x1x128xi32, #tpu.memory_space<hbm>> -> memref<128xi32, #tpu.memory_space<hbm>>
        tpu.wait_dma2 semaphore(%arg26 : memref<!tpu.dma_semaphore, #tpu.memory_space<semaphore_mem>>) src(%dma_wait3A_339 : memref<128xi32, #tpu.memory_space<hbm>>) dst(%dma_wait3A_336 : memref<128xi32, #tpu.memory_space<vmem>>)
        %dma_wait3A_340 = arith.constant 0 : i32
        %dma_wait3A_341 = arith.constant 0 : i32
        %dma_wait3A_342 = arith.constant 1 : i32
        %dma_wait3A_343 = arith.constant 0 : i32
        %dma_wait3A_344 = tpu.memref_slice %arg8[%dma_wait3A_342, %dma_wait3A_343] : memref<4x128xi32, #tpu.memory_space<vmem>> -> memref<1x128xi32, #tpu.memory_space<vmem>>
        %dma_wait3A_345 = tpu.memref_squeeze %dma_wait3A_344 : memref<1x128xi32, #tpu.memory_space<vmem>> -> memref<128xi32, #tpu.memory_space<vmem>>
        %dma_wait3A_346 = arith.constant 0 : i32
        %dma_wait3A_347 = tpu.memref_slice %arg5[%dma_wait3A_340, %dma_wait3A_341, %dma_wait3A_346] : memref<32x128x128xi32, #tpu.memory_space<hbm>> -> memref<1x1x128xi32, #tpu.memory_space<hbm>>
        %dma_wait3A_348 = tpu.memref_squeeze %dma_wait3A_347 : memref<1x1x128xi32, #tpu.memory_space<hbm>> -> memref<128xi32, #tpu.memory_space<hbm>>
        %dma_wait3A_349 = arith.constant 0 : i32
        %dma_wait3A_350 = tpu.memref_slice %arg8[%dma_wait3A_342, %dma_wait3A_349] : memref<4x128xi32, #tpu.memory_space<vmem>> -> memref<1x128xi32, #tpu.memory_space<vmem>>
        %dma_wait3A_351 = tpu.memref_squeeze %dma_wait3A_350 : memref<1x128xi32, #tpu.memory_space<vmem>> -> memref<128xi32, #tpu.memory_space<vmem>>
        %dma_wait3A_352 = arith.constant 0 : i32
        %dma_wait3A_353 = tpu.memref_slice %arg5[%dma_wait3A_340, %dma_wait3A_341, %dma_wait3A_352] : memref<32x128x128xi32, #tpu.memory_space<hbm>> -> memref<1x1x128xi32, #tpu.memory_space<hbm>>
        %dma_wait3A_354 = tpu.memref_squeeze %dma_wait3A_353 : memref<1x1x128xi32, #tpu.memory_space<hbm>> -> memref<128xi32, #tpu.memory_space<hbm>>
        tpu.wait_dma2 semaphore(%arg26 : memref<!tpu.dma_semaphore, #tpu.memory_space<semaphore_mem>>) src(%dma_wait3A_354 : memref<128xi32, #tpu.memory_space<hbm>>) dst(%dma_wait3A_351 : memref<128xi32, #tpu.memory_space<vmem>>)
        %dma_start3A_355 = arith.constant 1 : i32
        %dma_start3A_356 = arith.constant 0 : i32
        %dma_start3A_357 = tpu.memref_slice %arg7[%dma_start3A_355, %dma_start3A_356] : memref<4x128xi32, #tpu.memory_space<vmem>> -> memref<1x128xi32, #tpu.memory_space<vmem>>
        %dma_start3A_358 = tpu.memref_squeeze %dma_start3A_357 : memref<1x128xi32, #tpu.memory_space<vmem>> -> memref<128xi32, #tpu.memory_space<vmem>>
        %dma_start3A_359 = arith.constant 0 : i32
        %dma_start3A_360 = arith.constant 0 : i32
        %dma_start3A_361 = tpu.memref_slice %arg2[%dma_start3A_359, %dma_start3A_360] : memref<100000x128xf32, #tpu.memory_space<hbm>> -> memref<100000x128xf32, #tpu.memory_space<hbm>>
        tpu.enqueue_indirect_dma source(%dma_start3A_361 : memref<100000x128xf32, #tpu.memory_space<hbm>>) target(%arg10 : memref<128x128xf32, #tpu.memory_space<vmem>>) offsets(%dma_start3A_358 : memref<128xi32, #tpu.memory_space<vmem>>) semaphore(%arg18 : memref<!tpu.dma_semaphore, #tpu.memory_space<semaphore_mem>>)
        %dma_start3A_362 = arith.constant 1 : i32
        %dma_start3A_363 = arith.constant 0 : i32
        %dma_start3A_364 = tpu.memref_slice %arg8[%dma_start3A_362, %dma_start3A_363] : memref<4x128xi32, #tpu.memory_space<vmem>> -> memref<1x128xi32, #tpu.memory_space<vmem>>
        %dma_start3A_365 = tpu.memref_squeeze %dma_start3A_364 : memref<1x128xi32, #tpu.memory_space<vmem>> -> memref<128xi32, #tpu.memory_space<vmem>>
        %dma_start3A_366 = arith.constant 0 : i32
        %dma_start3A_367 = arith.constant 0 : i32
        %dma_start3A_368 = tpu.memref_slice %arg3[%dma_start3A_366, %dma_start3A_367] : memref<1024x64xi32, #tpu.memory_space<hbm>> -> memref<1024x64xi32, #tpu.memory_space<hbm>>
        tpu.enqueue_indirect_dma source(%dma_start3A_368 : memref<1024x64xi32, #tpu.memory_space<hbm>>) target(%arg14 : memref<128x64xi32, #tpu.memory_space<vmem>>) offsets(%dma_start3A_365 : memref<128xi32, #tpu.memory_space<vmem>>) semaphore(%arg18 : memref<!tpu.dma_semaphore, #tpu.memory_space<semaphore_mem>>)
      } else {
      }
      %add3A_145 = arith.constant 2 : i32
      %add3A_146 = arith.addi %add3A_134, %add3A_145 : i32
      %lt3A_147 = arith.constant 128 : i32
      %lt3A_148 = arith.cmpi slt, %add3A_146, %lt3A_147 : i32
      %convert_element_type3A_149 = arith.extui %lt3A_148 : i1 to i32
      %cond3A_150 = arith.constant 0 : i32
      %cond3A_151 = arith.cmpi ne, %convert_element_type3A_149, %cond3A_150 : i32
      scf.if %cond3A_151 {
        %add3A_325 = arith.constant 2 : i32
        %add3A_326 = arith.addi %add3A_134, %add3A_325 : i32
        %dma_start3A_327 = arith.constant 2 : i32
        %dma_start3A_328 = arith.constant 0 : i32
        %dma_start3A_329 = tpu.memref_slice %arg7[%dma_start3A_327, %dma_start3A_328] : memref<4x128xi32, #tpu.memory_space<vmem>> -> memref<1x128xi32, #tpu.memory_space<vmem>>
        %dma_start3A_330 = tpu.memref_squeeze %dma_start3A_329 : memref<1x128xi32, #tpu.memory_space<vmem>> -> memref<128xi32, #tpu.memory_space<vmem>>
        %dma_start3A_331 = arith.constant 0 : i32
        %dma_start3A_332 = tpu.memref_slice %arg4[%add3A, %add3A_326, %dma_start3A_331] : memref<32x128x128xi32, #tpu.memory_space<hbm>> -> memref<1x1x128xi32, #tpu.memory_space<hbm>>
        %dma_start3A_333 = tpu.memref_squeeze %dma_start3A_332 : memref<1x1x128xi32, #tpu.memory_space<hbm>> -> memref<128xi32, #tpu.memory_space<hbm>>
        %dma_start3A_334 = arith.constant 0 : i32
        %dma_start3A_335 = tpu.memref_slice %arg7[%dma_start3A_327, %dma_start3A_334] : memref<4x128xi32, #tpu.memory_space<vmem>> -> memref<1x128xi32, #tpu.memory_space<vmem>>
        %dma_start3A_336 = tpu.memref_squeeze %dma_start3A_335 : memref<1x128xi32, #tpu.memory_space<vmem>> -> memref<128xi32, #tpu.memory_space<vmem>>
        %dma_start3A_337 = arith.constant 0 : i32
        %dma_start3A_338 = tpu.memref_slice %arg4[%add3A, %add3A_326, %dma_start3A_337] : memref<32x128x128xi32, #tpu.memory_space<hbm>> -> memref<1x1x128xi32, #tpu.memory_space<hbm>>
        %dma_start3A_339 = tpu.memref_squeeze %dma_start3A_338 : memref<1x1x128xi32, #tpu.memory_space<hbm>> -> memref<128xi32, #tpu.memory_space<hbm>>
        tpu.enqueue_dma source(%dma_start3A_339 : memref<128xi32, #tpu.memory_space<hbm>>) target(%dma_start3A_336 : memref<128xi32, #tpu.memory_space<vmem>>) target_semaphore(%arg27 : memref<!tpu.dma_semaphore, #tpu.memory_space<semaphore_mem>>)
        %dma_start3A_340 = arith.constant 2 : i32
        %dma_start3A_341 = arith.constant 0 : i32
        %dma_start3A_342 = tpu.memref_slice %arg8[%dma_start3A_340, %dma_start3A_341] : memref<4x128xi32, #tpu.memory_space<vmem>> -> memref<1x128xi32, #tpu.memory_space<vmem>>
        %dma_start3A_343 = tpu.memref_squeeze %dma_start3A_342 : memref<1x128xi32, #tpu.memory_space<vmem>> -> memref<128xi32, #tpu.memory_space<vmem>>
        %dma_start3A_344 = arith.constant 0 : i32
        %dma_start3A_345 = tpu.memref_slice %arg5[%add3A, %add3A_326, %dma_start3A_344] : memref<32x128x128xi32, #tpu.memory_space<hbm>> -> memref<1x1x128xi32, #tpu.memory_space<hbm>>
        %dma_start3A_346 = tpu.memref_squeeze %dma_start3A_345 : memref<1x1x128xi32, #tpu.memory_space<hbm>> -> memref<128xi32, #tpu.memory_space<hbm>>
        %dma_start3A_347 = arith.constant 0 : i32
        %dma_start3A_348 = tpu.memref_slice %arg8[%dma_start3A_340, %dma_start3A_347] : memref<4x128xi32, #tpu.memory_space<vmem>> -> memref<1x128xi32, #tpu.memory_space<vmem>>
        %dma_start3A_349 = tpu.memref_squeeze %dma_start3A_348 : memref<1x128xi32, #tpu.memory_space<vmem>> -> memref<128xi32, #tpu.memory_space<vmem>>
        %dma_start3A_350 = arith.constant 0 : i32
        %dma_start3A_351 = tpu.memref_slice %arg5[%add3A, %add3A_326, %dma_start3A_350] : memref<32x128x128xi32, #tpu.memory_space<hbm>> -> memref<1x1x128xi32, #tpu.memory_space<hbm>>
        %dma_start3A_352 = tpu.memref_squeeze %dma_start3A_351 : memref<1x1x128xi32, #tpu.memory_space<hbm>> -> memref<128xi32, #tpu.memory_space<hbm>>
        tpu.enqueue_dma source(%dma_start3A_352 : memref<128xi32, #tpu.memory_space<hbm>>) target(%dma_start3A_349 : memref<128xi32, #tpu.memory_space<vmem>>) target_semaphore(%arg27 : memref<!tpu.dma_semaphore, #tpu.memory_space<semaphore_mem>>)
      } else {
      }
      %dma_wait3A_152 = arith.constant 0 : i32
      %dma_wait3A_153 = arith.constant 0 : i32
      %dma_wait3A_154 = tpu.memref_slice %arg7[%dma_wait3A_152, %dma_wait3A_153] : memref<4x128xi32, #tpu.memory_space<vmem>> -> memref<1x128xi32, #tpu.memory_space<vmem>>
      %dma_wait3A_155 = tpu.memref_squeeze %dma_wait3A_154 : memref<1x128xi32, #tpu.memory_space<vmem>> -> memref<128xi32, #tpu.memory_space<vmem>>
      %dma_wait3A_156 = arith.constant 0 : i32
      %dma_wait3A_157 = arith.constant 0 : i32
      %dma_wait3A_158 = tpu.memref_slice %arg2[%dma_wait3A_156, %dma_wait3A_157] : memref<100000x128xf32, #tpu.memory_space<hbm>> -> memref<100000x128xf32, #tpu.memory_space<hbm>>
      tpu.wait_indirect_dma semaphore(%arg17 : memref<!tpu.dma_semaphore, #tpu.memory_space<semaphore_mem>>) src(%dma_wait3A_158 : memref<100000x128xf32, #tpu.memory_space<hbm>>) dst(%arg9 : memref<128x128xf32, #tpu.memory_space<vmem>>)
      %dma_wait3A_159 = arith.constant 0 : i32
      %dma_wait3A_160 = arith.constant 0 : i32
      %dma_wait3A_161 = tpu.memref_slice %arg8[%dma_wait3A_159, %dma_wait3A_160] : memref<4x128xi32, #tpu.memory_space<vmem>> -> memref<1x128xi32, #tpu.memory_space<vmem>>
      %dma_wait3A_162 = tpu.memref_squeeze %dma_wait3A_161 : memref<1x128xi32, #tpu.memory_space<vmem>> -> memref<128xi32, #tpu.memory_space<vmem>>
      %dma_wait3A_163 = arith.constant 0 : i32
      %dma_wait3A_164 = arith.constant 0 : i32
      %dma_wait3A_165 = tpu.memref_slice %arg3[%dma_wait3A_163, %dma_wait3A_164] : memref<1024x64xi32, #tpu.memory_space<hbm>> -> memref<1024x64xi32, #tpu.memory_space<hbm>>
      tpu.wait_indirect_dma semaphore(%arg17 : memref<!tpu.dma_semaphore, #tpu.memory_space<semaphore_mem>>) src(%dma_wait3A_165 : memref<1024x64xi32, #tpu.memory_space<hbm>>) dst(%arg13 : memref<128x64xi32, #tpu.memory_space<vmem>>)
      %parallel_loop3A = arith.constant 0 : i32
      %parallel_loop3A_166 = arith.constant 128 : i32
      %parallel_loop3A_167 = arith.constant 1 : i32
      scf.for %parallel_loop3A_325 = %parallel_loop3A to %parallel_loop3A_166 step %parallel_loop3A_167  : i32 {
        %parallel_loop3A_326 = arith.index_cast %parallel_loop3A_325 : i32 to index
        %parallel_loop3A_327 = arith.constant 0 : index
        %parallel_loop3A_328 = tpu.vector_load %arg13[%parallel_loop3A_326, %parallel_loop3A_327] {strides = array<i32>} : memref<128x64xi32, #tpu.memory_space<vmem>>, vector<16xi32>,
        %parallel_loop3A_329 = arith.constant 16 : i32
        %parallel_loop3A_330 = vector.broadcast %parallel_loop3A_329 : i32 to vector<16xi32>
        %parallel_loop3A_331 = arith.shli %parallel_loop3A_328, %parallel_loop3A_330 : vector<16xi32>
        %parallel_loop3A_332 = tpu.bitcast %parallel_loop3A_331 : vector<16xi32> -> vector<16xf32>
        %parallel_loop3A_333 = arith.constant -65536 : i32
        %parallel_loop3A_334 = vector.broadcast %parallel_loop3A_333 : i32 to vector<16xi32>
        %parallel_loop3A_335 = arith.andi %parallel_loop3A_328, %parallel_loop3A_334 : vector<16xi32>
        %parallel_loop3A_336 = tpu.bitcast %parallel_loop3A_335 : vector<16xi32> -> vector<16xf32>
        %parallel_loop3A_337 = arith.index_cast %parallel_loop3A_325 : i32 to index
        %parallel_loop3A_338 = arith.constant 0 : index
        %parallel_loop3A_339 = tpu.vector_load %arg9[%parallel_loop3A_337, %parallel_loop3A_338] {strides = array<i32>} : memref<128x128xf32, #tpu.memory_space<vmem>>, vector<16xf32>,
        tpu.vector_store %arg9[%parallel_loop3A_337, %parallel_loop3A_338], %parallel_loop3A_332 {add = true, strides = array<i32>} : memref<128x128xf32, #tpu.memory_space<vmem>>, vector<16xf32>,
        %parallel_loop3A_340 = arith.index_cast %parallel_loop3A_325 : i32 to index
        %parallel_loop3A_341 = arith.constant 64 : index
        %parallel_loop3A_342 = tpu.vector_load %arg9[%parallel_loop3A_340, %parallel_loop3A_341] {strides = array<i32>} : memref<128x128xf32, #tpu.memory_space<vmem>>, vector<16xf32>,
        tpu.vector_store %arg9[%parallel_loop3A_340, %parallel_loop3A_341], %parallel_loop3A_336 {add = true, strides = array<i32>} : memref<128x128xf32, #tpu.memory_space<vmem>>, vector<16xf32>,
        %parallel_loop3A_343 = arith.index_cast %parallel_loop3A_325 : i32 to index
        %parallel_loop3A_344 = arith.constant 16 : index
        %parallel_loop3A_345 = tpu.vector_load %arg13[%parallel_loop3A_343, %parallel_loop3A_344] {strides = array<i32>} : memref<128x64xi32, #tpu.memory_space<vmem>>, vector<16xi32>,
        %parallel_loop3A_346 = arith.constant 16 : i32
        %parallel_loop3A_347 = vector.broadcast %parallel_loop3A_346 : i32 to vector<16xi32>
        %parallel_loop3A_348 = arith.shli %parallel_loop3A_345, %parallel_loop3A_347 : vector<16xi32>
        %parallel_loop3A_349 = tpu.bitcast %parallel_loop3A_348 : vector<16xi32> -> vector<16xf32>
        %parallel_loop3A_350 = arith.constant -65536 : i32
        %parallel_loop3A_351 = vector.broadcast %parallel_loop3A_350 : i32 to vector<16xi32>
        %parallel_loop3A_352 = arith.andi %parallel_loop3A_345, %parallel_loop3A_351 : vector<16xi32>
        %parallel_loop3A_353 = tpu.bitcast %parallel_loop3A_352 : vector<16xi32> -> vector<16xf32>
        %parallel_loop3A_354 = arith.index_cast %parallel_loop3A_325 : i32 to index
        %parallel_loop3A_355 = arith.constant 16 : index
        %parallel_loop3A_356 = tpu.vector_load %arg9[%parallel_loop3A_354, %parallel_loop3A_355] {strides = array<i32>} : memref<128x128xf32, #tpu.memory_space<vmem>>, vector<16xf32>,
        tpu.vector_store %arg9[%parallel_loop3A_354, %parallel_loop3A_355], %parallel_loop3A_349 {add = true, strides = array<i32>} : memref<128x128xf32, #tpu.memory_space<vmem>>, vector<16xf32>,
        %parallel_loop3A_357 = arith.index_cast %parallel_loop3A_325 : i32 to index
        %parallel_loop3A_358 = arith.constant 80 : index
        %parallel_loop3A_359 = tpu.vector_load %arg9[%parallel_loop3A_357, %parallel_loop3A_358] {strides = array<i32>} : memref<128x128xf32, #tpu.memory_space<vmem>>, vector<16xf32>,
        tpu.vector_store %arg9[%parallel_loop3A_357, %parallel_loop3A_358], %parallel_loop3A_353 {add = true, strides = array<i32>} : memref<128x128xf32, #tpu.memory_space<vmem>>, vector<16xf32>,
        %parallel_loop3A_360 = arith.index_cast %parallel_loop3A_325 : i32 to index
        %parallel_loop3A_361 = arith.constant 32 : index
        %parallel_loop3A_362 = tpu.vector_load %arg13[%parallel_loop3A_360, %parallel_loop3A_361] {strides = array<i32>} : memref<128x64xi32, #tpu.memory_space<vmem>>, vector<16xi32>,
        %parallel_loop3A_363 = arith.constant 16 : i32
        %parallel_loop3A_364 = vector.broadcast %parallel_loop3A_363 : i32 to vector<16xi32>
        %parallel_loop3A_365 = arith.shli %parallel_loop3A_362, %parallel_loop3A_364 : vector<16xi32>
        %parallel_loop3A_366 = tpu.bitcast %parallel_loop3A_365 : vector<16xi32> -> vector<16xf32>
        %parallel_loop3A_367 = arith.constant -65536 : i32
        %parallel_loop3A_368 = vector.broadcast %parallel_loop3A_367 : i32 to vector<16xi32>
        %parallel_loop3A_369 = arith.andi %parallel_loop3A_362, %parallel_loop3A_368 : vector<16xi32>
        %parallel_loop3A_370 = tpu.bitcast %parallel_loop3A_369 : vector<16xi32> -> vector<16xf32>
        %parallel_loop3A_371 = arith.index_cast %parallel_loop3A_325 : i32 to index
        %parallel_loop3A_372 = arith.constant 32 : index
        %parallel_loop3A_373 = tpu.vector_load %arg9[%parallel_loop3A_371, %parallel_loop3A_372] {strides = array<i32>} : memref<128x128xf32, #tpu.memory_space<vmem>>, vector<16xf32>,
        tpu.vector_store %arg9[%parallel_loop3A_371, %parallel_loop3A_372], %parallel_loop3A_366 {add = true, strides = array<i32>} : memref<128x128xf32, #tpu.memory_space<vmem>>, vector<16xf32>,
        %parallel_loop3A_374 = arith.index_cast %parallel_loop3A_325 : i32 to index
        %parallel_loop3A_375 = arith.constant 96 : index
        %parallel_loop3A_376 = tpu.vector_load %arg9[%parallel_loop3A_374, %parallel_loop3A_375] {strides = array<i32>} : memref<128x128xf32, #tpu.memory_space<vmem>>, vector<16xf32>,
        tpu.vector_store %arg9[%parallel_loop3A_374, %parallel_loop3A_375], %parallel_loop3A_370 {add = true, strides = array<i32>} : memref<128x128xf32, #tpu.memory_space<vmem>>, vector<16xf32>,
        %parallel_loop3A_377 = arith.index_cast %parallel_loop3A_325 : i32 to index
        %parallel_loop3A_378 = arith.constant 48 : index
        %parallel_loop3A_379 = tpu.vector_load %arg13[%parallel_loop3A_377, %parallel_loop3A_378] {strides = array<i32>} : memref<128x64xi32, #tpu.memory_space<vmem>>, vector<16xi32>,
        %parallel_loop3A_380 = arith.constant 16 : i32
        %parallel_loop3A_381 = vector.broadcast %parallel_loop3A_380 : i32 to vector<16xi32>
        %parallel_loop3A_382 = arith.shli %parallel_loop3A_379, %parallel_loop3A_381 : vector<16xi32>
        %parallel_loop3A_383 = tpu.bitcast %parallel_loop3A_382 : vector<16xi32> -> vector<16xf32>
        %parallel_loop3A_384 = arith.constant -65536 : i32
        %parallel_loop3A_385 = vector.broadcast %parallel_loop3A_384 : i32 to vector<16xi32>
        %parallel_loop3A_386 = arith.andi %parallel_loop3A_379, %parallel_loop3A_385 : vector<16xi32>
        %parallel_loop3A_387 = tpu.bitcast %parallel_loop3A_386 : vector<16xi32> -> vector<16xf32>
        %parallel_loop3A_388 = arith.index_cast %parallel_loop3A_325 : i32 to index
        %parallel_loop3A_389 = arith.constant 48 : index
        %parallel_loop3A_390 = tpu.vector_load %arg9[%parallel_loop3A_388, %parallel_loop3A_389] {strides = array<i32>} : memref<128x128xf32, #tpu.memory_space<vmem>>, vector<16xf32>,
        tpu.vector_store %arg9[%parallel_loop3A_388, %parallel_loop3A_389], %parallel_loop3A_383 {add = true, strides = array<i32>} : memref<128x128xf32, #tpu.memory_space<vmem>>, vector<16xf32>,
        %parallel_loop3A_391 = arith.index_cast %parallel_loop3A_325 : i32 to index
        %parallel_loop3A_392 = arith.constant 112 : index
        %parallel_loop3A_393 = tpu.vector_load %arg9[%parallel_loop3A_391, %parallel_loop3A_392] {strides = array<i32>} : memref<128x128xf32, #tpu.memory_space<vmem>>, vector<16xf32>,
        tpu.vector_store %arg9[%parallel_loop3A_391, %parallel_loop3A_392], %parallel_loop3A_387 {add = true, strides = array<i32>} : memref<128x128xf32, #tpu.memory_space<vmem>>, vector<16xf32>,
      } {sc.loop_unroll_factor = 4 : i64, sc.parallel_access}
      %mul3A_168 = arith.constant 128 : i32
      %mul3A_169 = arith.muli %add3A_134, %mul3A_168 : i32
      %add3A_170 = arith.addi %mul3A_2, %mul3A_169 : i32
      %dma_start3A_171 = arith.constant 0 : i32
      %dma_start3A_172 = tpu.memref_slice %arg6[%add3A_170, %dma_start3A_171] : memref<524288x128xf32, #tpu.memory_space<hbm>> -> memref<128x128xf32, #tpu.memory_space<hbm>>
      %dma_start3A_173 = arith.constant 0 : i32
      %dma_start3A_174 = tpu.memref_slice %arg6[%add3A_170, %dma_start3A_173] : memref<524288x128xf32, #tpu.memory_space<hbm>> -> memref<128x128xf32, #tpu.memory_space<hbm>>
      tpu.enqueue_dma source(%arg9 : memref<128x128xf32, #tpu.memory_space<vmem>>) target(%dma_start3A_174 : memref<128x128xf32, #tpu.memory_space<hbm>>) target_semaphore(%arg21 : memref<!tpu.dma_semaphore, #tpu.memory_space<semaphore_mem>>)
      %mul3A_175 = arith.constant 4 : i32
      %mul3A_176 = arith.muli %mul3A_175, %scan3A_130 : i32
      %add3A_177 = arith.constant 1 : i32
      %add3A_178 = arith.addi %mul3A_176, %add3A_177 : i32
      %add3A_179 = arith.constant 1 : i32
      %add3A_180 = arith.addi %add3A_178, %add3A_179 : i32
      %ge3A_181 = arith.constant 3 : i32
      %ge3A_182 = arith.cmpi sge, %add3A_178, %ge3A_181 : i32
      %lt3A_183 = arith.constant 128 : i32
      %lt3A_184 = arith.cmpi slt, %add3A_180, %lt3A_183 : i32
      %and3A_185 = arith.andi %ge3A_182, %lt3A_184 : i1
      %convert_element_type3A_186 = arith.extui %and3A_185 : i1 to i32
      %cond3A_187 = arith.constant 0 : i32
      %cond3A_188 = arith.cmpi ne, %convert_element_type3A_186, %cond3A_187 : i32
      scf.if %cond3A_188 {
        %dma_wait3A_325 = arith.constant 0 : i32
        %dma_wait3A_326 = arith.constant 0 : i32
        %dma_wait3A_327 = tpu.memref_slice %arg6[%dma_wait3A_325, %dma_wait3A_326] : memref<524288x128xf32, #tpu.memory_space<hbm>> -> memref<128x128xf32, #tpu.memory_space<hbm>>
        %dma_wait3A_328 = arith.constant 0 : i32
        %dma_wait3A_329 = arith.constant 0 : i32
        %dma_wait3A_330 = tpu.memref_slice %arg6[%dma_wait3A_328, %dma_wait3A_329] : memref<524288x128xf32, #tpu.memory_space<hbm>> -> memref<128x128xf32, #tpu.memory_space<hbm>>
        tpu.wait_dma2 semaphore(%arg23 : memref<!tpu.dma_semaphore, #tpu.memory_space<semaphore_mem>>) src(%arg11 : memref<128x128xf32, #tpu.memory_space<vmem>>) dst(%dma_wait3A_330 : memref<128x128xf32, #tpu.memory_space<hbm>>)
      } else {
      }
      %lt3A_189 = arith.constant 128 : i32
      %lt3A_190 = arith.cmpi slt, %add3A_180, %lt3A_189 : i32
      %convert_element_type3A_191 = arith.extui %lt3A_190 : i1 to i32
      %cond3A_192 = arith.constant 0 : i32
      %cond3A_193 = arith.cmpi ne, %convert_element_type3A_191, %cond3A_192 : i32
      scf.if %cond3A_193 {
        %dma_wait3A_325 = arith.constant 0 : i32
        %dma_wait3A_326 = arith.constant 0 : i32
        %dma_wait3A_327 = arith.constant 2 : i32
        %dma_wait3A_328 = arith.constant 0 : i32
        %dma_wait3A_329 = tpu.memref_slice %arg7[%dma_wait3A_327, %dma_wait3A_328] : memref<4x128xi32, #tpu.memory_space<vmem>> -> memref<1x128xi32, #tpu.memory_space<vmem>>
        %dma_wait3A_330 = tpu.memref_squeeze %dma_wait3A_329 : memref<1x128xi32, #tpu.memory_space<vmem>> -> memref<128xi32, #tpu.memory_space<vmem>>
        %dma_wait3A_331 = arith.constant 0 : i32
        %dma_wait3A_332 = tpu.memref_slice %arg4[%dma_wait3A_325, %dma_wait3A_326, %dma_wait3A_331] : memref<32x128x128xi32, #tpu.memory_space<hbm>> -> memref<1x1x128xi32, #tpu.memory_space<hbm>>
        %dma_wait3A_333 = tpu.memref_squeeze %dma_wait3A_332 : memref<1x1x128xi32, #tpu.memory_space<hbm>> -> memref<128xi32, #tpu.memory_space<hbm>>
        %dma_wait3A_334 = arith.constant 0 : i32
        %dma_wait3A_335 = tpu.memref_slice %arg7[%dma_wait3A_327, %dma_wait3A_334] : memref<4x128xi32, #tpu.memory_space<vmem>> -> memref<1x128xi32, #tpu.memory_space<vmem>>
        %dma_wait3A_336 = tpu.memref_squeeze %dma_wait3A_335 : memref<1x128xi32, #tpu.memory_space<vmem>> -> memref<128xi32, #tpu.memory_space<vmem>>
        %dma_wait3A_337 = arith.constant 0 : i32
        %dma_wait3A_338 = tpu.memref_slice %arg4[%dma_wait3A_325, %dma_wait3A_326, %dma_wait3A_337] : memref<32x128x128xi32, #tpu.memory_space<hbm>> -> memref<1x1x128xi32, #tpu.memory_space<hbm>>
        %dma_wait3A_339 = tpu.memref_squeeze %dma_wait3A_338 : memref<1x1x128xi32, #tpu.memory_space<hbm>> -> memref<128xi32, #tpu.memory_space<hbm>>
        tpu.wait_dma2 semaphore(%arg27 : memref<!tpu.dma_semaphore, #tpu.memory_space<semaphore_mem>>) src(%dma_wait3A_339 : memref<128xi32, #tpu.memory_space<hbm>>) dst(%dma_wait3A_336 : memref<128xi32, #tpu.memory_space<vmem>>)
        %dma_wait3A_340 = arith.constant 0 : i32
        %dma_wait3A_341 = arith.constant 0 : i32
        %dma_wait3A_342 = arith.constant 2 : i32
        %dma_wait3A_343 = arith.constant 0 : i32
        %dma_wait3A_344 = tpu.memref_slice %arg8[%dma_wait3A_342, %dma_wait3A_343] : memref<4x128xi32, #tpu.memory_space<vmem>> -> memref<1x128xi32, #tpu.memory_space<vmem>>
        %dma_wait3A_345 = tpu.memref_squeeze %dma_wait3A_344 : memref<1x128xi32, #tpu.memory_space<vmem>> -> memref<128xi32, #tpu.memory_space<vmem>>
        %dma_wait3A_346 = arith.constant 0 : i32
        %dma_wait3A_347 = tpu.memref_slice %arg5[%dma_wait3A_340, %dma_wait3A_341, %dma_wait3A_346] : memref<32x128x128xi32, #tpu.memory_space<hbm>> -> memref<1x1x128xi32, #tpu.memory_space<hbm>>
        %dma_wait3A_348 = tpu.memref_squeeze %dma_wait3A_347 : memref<1x1x128xi32, #tpu.memory_space<hbm>> -> memref<128xi32, #tpu.memory_space<hbm>>
        %dma_wait3A_349 = arith.constant 0 : i32
        %dma_wait3A_350 = tpu.memref_slice %arg8[%dma_wait3A_342, %dma_wait3A_349] : memref<4x128xi32, #tpu.memory_space<vmem>> -> memref<1x128xi32, #tpu.memory_space<vmem>>
        %dma_wait3A_351 = tpu.memref_squeeze %dma_wait3A_350 : memref<1x128xi32, #tpu.memory_space<vmem>> -> memref<128xi32, #tpu.memory_space<vmem>>
        %dma_wait3A_352 = arith.constant 0 : i32
        %dma_wait3A_353 = tpu.memref_slice %arg5[%dma_wait3A_340, %dma_wait3A_341, %dma_wait3A_352] : memref<32x128x128xi32, #tpu.memory_space<hbm>> -> memref<1x1x128xi32, #tpu.memory_space<hbm>>
        %dma_wait3A_354 = tpu.memref_squeeze %dma_wait3A_353 : memref<1x1x128xi32, #tpu.memory_space<hbm>> -> memref<128xi32, #tpu.memory_space<hbm>>
        tpu.wait_dma2 semaphore(%arg27 : memref<!tpu.dma_semaphore, #tpu.memory_space<semaphore_mem>>) src(%dma_wait3A_354 : memref<128xi32, #tpu.memory_space<hbm>>) dst(%dma_wait3A_351 : memref<128xi32, #tpu.memory_space<vmem>>)
        %dma_start3A_355 = arith.constant 2 : i32
        %dma_start3A_356 = arith.constant 0 : i32
        %dma_start3A_357 = tpu.memref_slice %arg7[%dma_start3A_355, %dma_start3A_356] : memref<4x128xi32, #tpu.memory_space<vmem>> -> memref<1x128xi32, #tpu.memory_space<vmem>>
        %dma_start3A_358 = tpu.memref_squeeze %dma_start3A_357 : memref<1x128xi32, #tpu.memory_space<vmem>> -> memref<128xi32, #tpu.memory_space<vmem>>
        %dma_start3A_359 = arith.constant 0 : i32
        %dma_start3A_360 = arith.constant 0 : i32
        %dma_start3A_361 = tpu.memref_slice %arg2[%dma_start3A_359, %dma_start3A_360] : memref<100000x128xf32, #tpu.memory_space<hbm>> -> memref<100000x128xf32, #tpu.memory_space<hbm>>
        tpu.enqueue_indirect_dma source(%dma_start3A_361 : memref<100000x128xf32, #tpu.memory_space<hbm>>) target(%arg11 : memref<128x128xf32, #tpu.memory_space<vmem>>) offsets(%dma_start3A_358 : memref<128xi32, #tpu.memory_space<vmem>>) semaphore(%arg19 : memref<!tpu.dma_semaphore, #tpu.memory_space<semaphore_mem>>)
        %dma_start3A_362 = arith.constant 2 : i32
        %dma_start3A_363 = arith.constant 0 : i32
        %dma_start3A_364 = tpu.memref_slice %arg8[%dma_start3A_362, %dma_start3A_363] : memref<4x128xi32, #tpu.memory_space<vmem>> -> memref<1x128xi32, #tpu.memory_space<vmem>>
        %dma_start3A_365 = tpu.memref_squeeze %dma_start3A_364 : memref<1x128xi32, #tpu.memory_space<vmem>> -> memref<128xi32, #tpu.memory_space<vmem>>
        %dma_start3A_366 = arith.constant 0 : i32
        %dma_start3A_367 = arith.constant 0 : i32
        %dma_start3A_368 = tpu.memref_slice %arg3[%dma_start3A_366, %dma_start3A_367] : memref<1024x64xi32, #tpu.memory_space<hbm>> -> memref<1024x64xi32, #tpu.memory_space<hbm>>
        tpu.enqueue_indirect_dma source(%dma_start3A_368 : memref<1024x64xi32, #tpu.memory_space<hbm>>) target(%arg15 : memref<128x64xi32, #tpu.memory_space<vmem>>) offsets(%dma_start3A_365 : memref<128xi32, #tpu.memory_space<vmem>>) semaphore(%arg19 : memref<!tpu.dma_semaphore, #tpu.memory_space<semaphore_mem>>)
      } else {
      }
      %add3A_194 = arith.constant 2 : i32
      %add3A_195 = arith.addi %add3A_178, %add3A_194 : i32
      %lt3A_196 = arith.constant 128 : i32
      %lt3A_197 = arith.cmpi slt, %add3A_195, %lt3A_196 : i32
      %convert_element_type3A_198 = arith.extui %lt3A_197 : i1 to i32
      %cond3A_199 = arith.constant 0 : i32
      %cond3A_200 = arith.cmpi ne, %convert_element_type3A_198, %cond3A_199 : i32
      scf.if %cond3A_200 {
        %add3A_325 = arith.constant 2 : i32
        %add3A_326 = arith.addi %add3A_178, %add3A_325 : i32
        %dma_start3A_327 = arith.constant 3 : i32
        %dma_start3A_328 = arith.constant 0 : i32
        %dma_start3A_329 = tpu.memref_slice %arg7[%dma_start3A_327, %dma_start3A_328] : memref<4x128xi32, #tpu.memory_space<vmem>> -> memref<1x128xi32, #tpu.memory_space<vmem>>
        %dma_start3A_330 = tpu.memref_squeeze %dma_start3A_329 : memref<1x128xi32, #tpu.memory_space<vmem>> -> memref<128xi32, #tpu.memory_space<vmem>>
        %dma_start3A_331 = arith.constant 0 : i32
        %dma_start3A_332 = tpu.memref_slice %arg4[%add3A, %add3A_326, %dma_start3A_331] : memref<32x128x128xi32, #tpu.memory_space<hbm>> -> memref<1x1x128xi32, #tpu.memory_space<hbm>>
        %dma_start3A_333 = tpu.memref_squeeze %dma_start3A_332 : memref<1x1x128xi32, #tpu.memory_space<hbm>> -> memref<128xi32, #tpu.memory_space<hbm>>
        %dma_start3A_334 = arith.constant 0 : i32
        %dma_start3A_335 = tpu.memref_slice %arg7[%dma_start3A_327, %dma_start3A_334] : memref<4x128xi32, #tpu.memory_space<vmem>> -> memref<1x128xi32, #tpu.memory_space<vmem>>
        %dma_start3A_336 = tpu.memref_squeeze %dma_start3A_335 : memref<1x128xi32, #tpu.memory_space<vmem>> -> memref<128xi32, #tpu.memory_space<vmem>>
        %dma_start3A_337 = arith.constant 0 : i32
        %dma_start3A_338 = tpu.memref_slice %arg4[%add3A, %add3A_326, %dma_start3A_337] : memref<32x128x128xi32, #tpu.memory_space<hbm>> -> memref<1x1x128xi32, #tpu.memory_space<hbm>>
        %dma_start3A_339 = tpu.memref_squeeze %dma_start3A_338 : memref<1x1x128xi32, #tpu.memory_space<hbm>> -> memref<128xi32, #tpu.memory_space<hbm>>
        tpu.enqueue_dma source(%dma_start3A_339 : memref<128xi32, #tpu.memory_space<hbm>>) target(%dma_start3A_336 : memref<128xi32, #tpu.memory_space<vmem>>) target_semaphore(%arg28 : memref<!tpu.dma_semaphore, #tpu.memory_space<semaphore_mem>>)
        %dma_start3A_340 = arith.constant 3 : i32
        %dma_start3A_341 = arith.constant 0 : i32
        %dma_start3A_342 = tpu.memref_slice %arg8[%dma_start3A_340, %dma_start3A_341] : memref<4x128xi32, #tpu.memory_space<vmem>> -> memref<1x128xi32, #tpu.memory_space<vmem>>
        %dma_start3A_343 = tpu.memref_squeeze %dma_start3A_342 : memref<1x128xi32, #tpu.memory_space<vmem>> -> memref<128xi32, #tpu.memory_space<vmem>>
        %dma_start3A_344 = arith.constant 0 : i32
        %dma_start3A_345 = tpu.memref_slice %arg5[%add3A, %add3A_326, %dma_start3A_344] : memref<32x128x128xi32, #tpu.memory_space<hbm>> -> memref<1x1x128xi32, #tpu.memory_space<hbm>>
        %dma_start3A_346 = tpu.memref_squeeze %dma_start3A_345 : memref<1x1x128xi32, #tpu.memory_space<hbm>> -> memref<128xi32, #tpu.memory_space<hbm>>
        %dma_start3A_347 = arith.constant 0 : i32
        %dma_start3A_348 = tpu.memref_slice %arg8[%dma_start3A_340, %dma_start3A_347] : memref<4x128xi32, #tpu.memory_space<vmem>> -> memref<1x128xi32, #tpu.memory_space<vmem>>
        %dma_start3A_349 = tpu.memref_squeeze %dma_start3A_348 : memref<1x128xi32, #tpu.memory_space<vmem>> -> memref<128xi32, #tpu.memory_space<vmem>>
        %dma_start3A_350 = arith.constant 0 : i32
        %dma_start3A_351 = tpu.memref_slice %arg5[%add3A, %add3A_326, %dma_start3A_350] : memref<32x128x128xi32, #tpu.memory_space<hbm>> -> memref<1x1x128xi32, #tpu.memory_space<hbm>>
        %dma_start3A_352 = tpu.memref_squeeze %dma_start3A_351 : memref<1x1x128xi32, #tpu.memory_space<hbm>> -> memref<128xi32, #tpu.memory_space<hbm>>
        tpu.enqueue_dma source(%dma_start3A_352 : memref<128xi32, #tpu.memory_space<hbm>>) target(%dma_start3A_349 : memref<128xi32, #tpu.memory_space<vmem>>) target_semaphore(%arg28 : memref<!tpu.dma_semaphore, #tpu.memory_space<semaphore_mem>>)
      } else {
      }
      %dma_wait3A_201 = arith.constant 0 : i32
      %dma_wait3A_202 = arith.constant 0 : i32
      %dma_wait3A_203 = tpu.memref_slice %arg7[%dma_wait3A_201, %dma_wait3A_202] : memref<4x128xi32, #tpu.memory_space<vmem>> -> memref<1x128xi32, #tpu.memory_space<vmem>>
      %dma_wait3A_204 = tpu.memref_squeeze %dma_wait3A_203 : memref<1x128xi32, #tpu.memory_space<vmem>> -> memref<128xi32, #tpu.memory_space<vmem>>
      %dma_wait3A_205 = arith.constant 0 : i32
      %dma_wait3A_206 = arith.constant 0 : i32
      %dma_wait3A_207 = tpu.memref_slice %arg2[%dma_wait3A_205, %dma_wait3A_206] : memref<100000x128xf32, #tpu.memory_space<hbm>> -> memref<100000x128xf32, #tpu.memory_space<hbm>>
      tpu.wait_indirect_dma semaphore(%arg18 : memref<!tpu.dma_semaphore, #tpu.memory_space<semaphore_mem>>) src(%dma_wait3A_207 : memref<100000x128xf32, #tpu.memory_space<hbm>>) dst(%arg10 : memref<128x128xf32, #tpu.memory_space<vmem>>)
      %dma_wait3A_208 = arith.constant 0 : i32
      %dma_wait3A_209 = arith.constant 0 : i32
      %dma_wait3A_210 = tpu.memref_slice %arg8[%dma_wait3A_208, %dma_wait3A_209] : memref<4x128xi32, #tpu.memory_space<vmem>> -> memref<1x128xi32, #tpu.memory_space<vmem>>
      %dma_wait3A_211 = tpu.memref_squeeze %dma_wait3A_210 : memref<1x128xi32, #tpu.memory_space<vmem>> -> memref<128xi32, #tpu.memory_space<vmem>>
      %dma_wait3A_212 = arith.constant 0 : i32
      %dma_wait3A_213 = arith.constant 0 : i32
      %dma_wait3A_214 = tpu.memref_slice %arg3[%dma_wait3A_212, %dma_wait3A_213] : memref<1024x64xi32, #tpu.memory_space<hbm>> -> memref<1024x64xi32, #tpu.memory_space<hbm>>
      tpu.wait_indirect_dma semaphore(%arg18 : memref<!tpu.dma_semaphore, #tpu.memory_space<semaphore_mem>>) src(%dma_wait3A_214 : memref<1024x64xi32, #tpu.memory_space<hbm>>) dst(%arg14 : memref<128x64xi32, #tpu.memory_space<vmem>>)
      %parallel_loop3A_215 = arith.constant 0 : i32
      %parallel_loop3A_216 = arith.constant 128 : i32
      %parallel_loop3A_217 = arith.constant 1 : i32
      scf.for %parallel_loop3A_325 = %parallel_loop3A_215 to %parallel_loop3A_216 step %parallel_loop3A_217  : i32 {
        %parallel_loop3A_326 = arith.index_cast %parallel_loop3A_325 : i32 to index
        %parallel_loop3A_327 = arith.constant 0 : index
        %parallel_loop3A_328 = tpu.vector_load %arg14[%parallel_loop3A_326, %parallel_loop3A_327] {strides = array<i32>} : memref<128x64xi32, #tpu.memory_space<vmem>>, vector<16xi32>,
        %parallel_loop3A_329 = arith.constant 16 : i32
        %parallel_loop3A_330 = vector.broadcast %parallel_loop3A_329 : i32 to vector<16xi32>
        %parallel_loop3A_331 = arith.shli %parallel_loop3A_328, %parallel_loop3A_330 : vector<16xi32>
        %parallel_loop3A_332 = tpu.bitcast %parallel_loop3A_331 : vector<16xi32> -> vector<16xf32>
        %parallel_loop3A_333 = arith.constant -65536 : i32
        %parallel_loop3A_334 = vector.broadcast %parallel_loop3A_333 : i32 to vector<16xi32>
        %parallel_loop3A_335 = arith.andi %parallel_loop3A_328, %parallel_loop3A_334 : vector<16xi32>
        %parallel_loop3A_336 = tpu.bitcast %parallel_loop3A_335 : vector<16xi32> -> vector<16xf32>
        %parallel_loop3A_337 = arith.index_cast %parallel_loop3A_325 : i32 to index
        %parallel_loop3A_338 = arith.constant 0 : index
        %parallel_loop3A_339 = tpu.vector_load %arg10[%parallel_loop3A_337, %parallel_loop3A_338] {strides = array<i32>} : memref<128x128xf32, #tpu.memory_space<vmem>>, vector<16xf32>,
        tpu.vector_store %arg10[%parallel_loop3A_337, %parallel_loop3A_338], %parallel_loop3A_332 {add = true, strides = array<i32>} : memref<128x128xf32, #tpu.memory_space<vmem>>, vector<16xf32>,
        %parallel_loop3A_340 = arith.index_cast %parallel_loop3A_325 : i32 to index
        %parallel_loop3A_341 = arith.constant 64 : index
        %parallel_loop3A_342 = tpu.vector_load %arg10[%parallel_loop3A_340, %parallel_loop3A_341] {strides = array<i32>} : memref<128x128xf32, #tpu.memory_space<vmem>>, vector<16xf32>,
        tpu.vector_store %arg10[%parallel_loop3A_340, %parallel_loop3A_341], %parallel_loop3A_336 {add = true, strides = array<i32>} : memref<128x128xf32, #tpu.memory_space<vmem>>, vector<16xf32>,
        %parallel_loop3A_343 = arith.index_cast %parallel_loop3A_325 : i32 to index
        %parallel_loop3A_344 = arith.constant 16 : index
        %parallel_loop3A_345 = tpu.vector_load %arg14[%parallel_loop3A_343, %parallel_loop3A_344] {strides = array<i32>} : memref<128x64xi32, #tpu.memory_space<vmem>>, vector<16xi32>,
        %parallel_loop3A_346 = arith.constant 16 : i32
        %parallel_loop3A_347 = vector.broadcast %parallel_loop3A_346 : i32 to vector<16xi32>
        %parallel_loop3A_348 = arith.shli %parallel_loop3A_345, %parallel_loop3A_347 : vector<16xi32>
        %parallel_loop3A_349 = tpu.bitcast %parallel_loop3A_348 : vector<16xi32> -> vector<16xf32>
        %parallel_loop3A_350 = arith.constant -65536 : i32
        %parallel_loop3A_351 = vector.broadcast %parallel_loop3A_350 : i32 to vector<16xi32>
        %parallel_loop3A_352 = arith.andi %parallel_loop3A_345, %parallel_loop3A_351 : vector<16xi32>
        %parallel_loop3A_353 = tpu.bitcast %parallel_loop3A_352 : vector<16xi32> -> vector<16xf32>
        %parallel_loop3A_354 = arith.index_cast %parallel_loop3A_325 : i32 to index
        %parallel_loop3A_355 = arith.constant 16 : index
        %parallel_loop3A_356 = tpu.vector_load %arg10[%parallel_loop3A_354, %parallel_loop3A_355] {strides = array<i32>} : memref<128x128xf32, #tpu.memory_space<vmem>>, vector<16xf32>,
        tpu.vector_store %arg10[%parallel_loop3A_354, %parallel_loop3A_355], %parallel_loop3A_349 {add = true, strides = array<i32>} : memref<128x128xf32, #tpu.memory_space<vmem>>, vector<16xf32>,
        %parallel_loop3A_357 = arith.index_cast %parallel_loop3A_325 : i32 to index
        %parallel_loop3A_358 = arith.constant 80 : index
        %parallel_loop3A_359 = tpu.vector_load %arg10[%parallel_loop3A_357, %parallel_loop3A_358] {strides = array<i32>} : memref<128x128xf32, #tpu.memory_space<vmem>>, vector<16xf32>,
        tpu.vector_store %arg10[%parallel_loop3A_357, %parallel_loop3A_358], %parallel_loop3A_353 {add = true, strides = array<i32>} : memref<128x128xf32, #tpu.memory_space<vmem>>, vector<16xf32>,
        %parallel_loop3A_360 = arith.index_cast %parallel_loop3A_325 : i32 to index
        %parallel_loop3A_361 = arith.constant 32 : index
        %parallel_loop3A_362 = tpu.vector_load %arg14[%parallel_loop3A_360, %parallel_loop3A_361] {strides = array<i32>} : memref<128x64xi32, #tpu.memory_space<vmem>>, vector<16xi32>,
        %parallel_loop3A_363 = arith.constant 16 : i32
        %parallel_loop3A_364 = vector.broadcast %parallel_loop3A_363 : i32 to vector<16xi32>
        %parallel_loop3A_365 = arith.shli %parallel_loop3A_362, %parallel_loop3A_364 : vector<16xi32>
        %parallel_loop3A_366 = tpu.bitcast %parallel_loop3A_365 : vector<16xi32> -> vector<16xf32>
        %parallel_loop3A_367 = arith.constant -65536 : i32
        %parallel_loop3A_368 = vector.broadcast %parallel_loop3A_367 : i32 to vector<16xi32>
        %parallel_loop3A_369 = arith.andi %parallel_loop3A_362, %parallel_loop3A_368 : vector<16xi32>
        %parallel_loop3A_370 = tpu.bitcast %parallel_loop3A_369 : vector<16xi32> -> vector<16xf32>
        %parallel_loop3A_371 = arith.index_cast %parallel_loop3A_325 : i32 to index
        %parallel_loop3A_372 = arith.constant 32 : index
        %parallel_loop3A_373 = tpu.vector_load %arg10[%parallel_loop3A_371, %parallel_loop3A_372] {strides = array<i32>} : memref<128x128xf32, #tpu.memory_space<vmem>>, vector<16xf32>,
        tpu.vector_store %arg10[%parallel_loop3A_371, %parallel_loop3A_372], %parallel_loop3A_366 {add = true, strides = array<i32>} : memref<128x128xf32, #tpu.memory_space<vmem>>, vector<16xf32>,
        %parallel_loop3A_374 = arith.index_cast %parallel_loop3A_325 : i32 to index
        %parallel_loop3A_375 = arith.constant 96 : index
        %parallel_loop3A_376 = tpu.vector_load %arg10[%parallel_loop3A_374, %parallel_loop3A_375] {strides = array<i32>} : memref<128x128xf32, #tpu.memory_space<vmem>>, vector<16xf32>,
        tpu.vector_store %arg10[%parallel_loop3A_374, %parallel_loop3A_375], %parallel_loop3A_370 {add = true, strides = array<i32>} : memref<128x128xf32, #tpu.memory_space<vmem>>, vector<16xf32>,
        %parallel_loop3A_377 = arith.index_cast %parallel_loop3A_325 : i32 to index
        %parallel_loop3A_378 = arith.constant 48 : index
        %parallel_loop3A_379 = tpu.vector_load %arg14[%parallel_loop3A_377, %parallel_loop3A_378] {strides = array<i32>} : memref<128x64xi32, #tpu.memory_space<vmem>>, vector<16xi32>,
        %parallel_loop3A_380 = arith.constant 16 : i32
        %parallel_loop3A_381 = vector.broadcast %parallel_loop3A_380 : i32 to vector<16xi32>
        %parallel_loop3A_382 = arith.shli %parallel_loop3A_379, %parallel_loop3A_381 : vector<16xi32>
        %parallel_loop3A_383 = tpu.bitcast %parallel_loop3A_382 : vector<16xi32> -> vector<16xf32>
        %parallel_loop3A_384 = arith.constant -65536 : i32
        %parallel_loop3A_385 = vector.broadcast %parallel_loop3A_384 : i32 to vector<16xi32>
        %parallel_loop3A_386 = arith.andi %parallel_loop3A_379, %parallel_loop3A_385 : vector<16xi32>
        %parallel_loop3A_387 = tpu.bitcast %parallel_loop3A_386 : vector<16xi32> -> vector<16xf32>
        %parallel_loop3A_388 = arith.index_cast %parallel_loop3A_325 : i32 to index
        %parallel_loop3A_389 = arith.constant 48 : index
        %parallel_loop3A_390 = tpu.vector_load %arg10[%parallel_loop3A_388, %parallel_loop3A_389] {strides = array<i32>} : memref<128x128xf32, #tpu.memory_space<vmem>>, vector<16xf32>,
        tpu.vector_store %arg10[%parallel_loop3A_388, %parallel_loop3A_389], %parallel_loop3A_383 {add = true, strides = array<i32>} : memref<128x128xf32, #tpu.memory_space<vmem>>, vector<16xf32>,
        %parallel_loop3A_391 = arith.index_cast %parallel_loop3A_325 : i32 to index
        %parallel_loop3A_392 = arith.constant 112 : index
        %parallel_loop3A_393 = tpu.vector_load %arg10[%parallel_loop3A_391, %parallel_loop3A_392] {strides = array<i32>} : memref<128x128xf32, #tpu.memory_space<vmem>>, vector<16xf32>,
        tpu.vector_store %arg10[%parallel_loop3A_391, %parallel_loop3A_392], %parallel_loop3A_387 {add = true, strides = array<i32>} : memref<128x128xf32, #tpu.memory_space<vmem>>, vector<16xf32>,
      } {sc.loop_unroll_factor = 4 : i64, sc.parallel_access}
      %mul3A_218 = arith.constant 128 : i32
      %mul3A_219 = arith.muli %add3A_178, %mul3A_218 : i32
      %add3A_220 = arith.addi %mul3A_2, %mul3A_219 : i32
      %dma_start3A_221 = arith.constant 0 : i32
      %dma_start3A_222 = tpu.memref_slice %arg6[%add3A_220, %dma_start3A_221] : memref<524288x128xf32, #tpu.memory_space<hbm>> -> memref<128x128xf32, #tpu.memory_space<hbm>>
      %dma_start3A_223 = arith.constant 0 : i32
      %dma_start3A_224 = tpu.memref_slice %arg6[%add3A_220, %dma_start3A_223] : memref<524288x128xf32, #tpu.memory_space<hbm>> -> memref<128x128xf32, #tpu.memory_space<hbm>>
      tpu.enqueue_dma source(%arg10 : memref<128x128xf32, #tpu.memory_space<vmem>>) target(%dma_start3A_224 : memref<128x128xf32, #tpu.memory_space<hbm>>) target_semaphore(%arg22 : memref<!tpu.dma_semaphore, #tpu.memory_space<semaphore_mem>>)
      %mul3A_225 = arith.constant 4 : i32
      %mul3A_226 = arith.muli %mul3A_225, %scan3A_130 : i32
      %add3A_227 = arith.constant 2 : i32
      %add3A_228 = arith.addi %mul3A_226, %add3A_227 : i32
      %add3A_229 = arith.constant 1 : i32
      %add3A_230 = arith.addi %add3A_228, %add3A_229 : i32
      %ge3A_231 = arith.constant 3 : i32
      %ge3A_232 = arith.cmpi sge, %add3A_228, %ge3A_231 : i32
      %lt3A_233 = arith.constant 128 : i32
      %lt3A_234 = arith.cmpi slt, %add3A_230, %lt3A_233 : i32
      %and3A_235 = arith.andi %ge3A_232, %lt3A_234 : i1
      %convert_element_type3A_236 = arith.extui %and3A_235 : i1 to i32
      %cond3A_237 = arith.constant 0 : i32
      %cond3A_238 = arith.cmpi ne, %convert_element_type3A_236, %cond3A_237 : i32
      scf.if %cond3A_238 {
        %dma_wait3A_325 = arith.constant 0 : i32
        %dma_wait3A_326 = arith.constant 0 : i32
        %dma_wait3A_327 = tpu.memref_slice %arg6[%dma_wait3A_325, %dma_wait3A_326] : memref<524288x128xf32, #tpu.memory_space<hbm>> -> memref<128x128xf32, #tpu.memory_space<hbm>>
        %dma_wait3A_328 = arith.constant 0 : i32
        %dma_wait3A_329 = arith.constant 0 : i32
        %dma_wait3A_330 = tpu.memref_slice %arg6[%dma_wait3A_328, %dma_wait3A_329] : memref<524288x128xf32, #tpu.memory_space<hbm>> -> memref<128x128xf32, #tpu.memory_space<hbm>>
        tpu.wait_dma2 semaphore(%arg24 : memref<!tpu.dma_semaphore, #tpu.memory_space<semaphore_mem>>) src(%arg12 : memref<128x128xf32, #tpu.memory_space<vmem>>) dst(%dma_wait3A_330 : memref<128x128xf32, #tpu.memory_space<hbm>>)
      } else {
      }
      %lt3A_239 = arith.constant 128 : i32
      %lt3A_240 = arith.cmpi slt, %add3A_230, %lt3A_239 : i32
      %convert_element_type3A_241 = arith.extui %lt3A_240 : i1 to i32
      %cond3A_242 = arith.constant 0 : i32
      %cond3A_243 = arith.cmpi ne, %convert_element_type3A_241, %cond3A_242 : i32
      scf.if %cond3A_243 {
        %dma_wait3A_325 = arith.constant 0 : i32
        %dma_wait3A_326 = arith.constant 0 : i32
        %dma_wait3A_327 = arith.constant 3 : i32
        %dma_wait3A_328 = arith.constant 0 : i32
        %dma_wait3A_329 = tpu.memref_slice %arg7[%dma_wait3A_327, %dma_wait3A_328] : memref<4x128xi32, #tpu.memory_space<vmem>> -> memref<1x128xi32, #tpu.memory_space<vmem>>
        %dma_wait3A_330 = tpu.memref_squeeze %dma_wait3A_329 : memref<1x128xi32, #tpu.memory_space<vmem>> -> memref<128xi32, #tpu.memory_space<vmem>>
        %dma_wait3A_331 = arith.constant 0 : i32
        %dma_wait3A_332 = tpu.memref_slice %arg4[%dma_wait3A_325, %dma_wait3A_326, %dma_wait3A_331] : memref<32x128x128xi32, #tpu.memory_space<hbm>> -> memref<1x1x128xi32, #tpu.memory_space<hbm>>
        %dma_wait3A_333 = tpu.memref_squeeze %dma_wait3A_332 : memref<1x1x128xi32, #tpu.memory_space<hbm>> -> memref<128xi32, #tpu.memory_space<hbm>>
        %dma_wait3A_334 = arith.constant 0 : i32
        %dma_wait3A_335 = tpu.memref_slice %arg7[%dma_wait3A_327, %dma_wait3A_334] : memref<4x128xi32, #tpu.memory_space<vmem>> -> memref<1x128xi32, #tpu.memory_space<vmem>>
        %dma_wait3A_336 = tpu.memref_squeeze %dma_wait3A_335 : memref<1x128xi32, #tpu.memory_space<vmem>> -> memref<128xi32, #tpu.memory_space<vmem>>
        %dma_wait3A_337 = arith.constant 0 : i32
        %dma_wait3A_338 = tpu.memref_slice %arg4[%dma_wait3A_325, %dma_wait3A_326, %dma_wait3A_337] : memref<32x128x128xi32, #tpu.memory_space<hbm>> -> memref<1x1x128xi32, #tpu.memory_space<hbm>>
        %dma_wait3A_339 = tpu.memref_squeeze %dma_wait3A_338 : memref<1x1x128xi32, #tpu.memory_space<hbm>> -> memref<128xi32, #tpu.memory_space<hbm>>
        tpu.wait_dma2 semaphore(%arg28 : memref<!tpu.dma_semaphore, #tpu.memory_space<semaphore_mem>>) src(%dma_wait3A_339 : memref<128xi32, #tpu.memory_space<hbm>>) dst(%dma_wait3A_336 : memref<128xi32, #tpu.memory_space<vmem>>)
        %dma_wait3A_340 = arith.constant 0 : i32
        %dma_wait3A_341 = arith.constant 0 : i32
        %dma_wait3A_342 = arith.constant 3 : i32
        %dma_wait3A_343 = arith.constant 0 : i32
        %dma_wait3A_344 = tpu.memref_slice %arg8[%dma_wait3A_342, %dma_wait3A_343] : memref<4x128xi32, #tpu.memory_space<vmem>> -> memref<1x128xi32, #tpu.memory_space<vmem>>
        %dma_wait3A_345 = tpu.memref_squeeze %dma_wait3A_344 : memref<1x128xi32, #tpu.memory_space<vmem>> -> memref<128xi32, #tpu.memory_space<vmem>>
        %dma_wait3A_346 = arith.constant 0 : i32
        %dma_wait3A_347 = tpu.memref_slice %arg5[%dma_wait3A_340, %dma_wait3A_341, %dma_wait3A_346] : memref<32x128x128xi32, #tpu.memory_space<hbm>> -> memref<1x1x128xi32, #tpu.memory_space<hbm>>
        %dma_wait3A_348 = tpu.memref_squeeze %dma_wait3A_347 : memref<1x1x128xi32, #tpu.memory_space<hbm>> -> memref<128xi32, #tpu.memory_space<hbm>>
        %dma_wait3A_349 = arith.constant 0 : i32
        %dma_wait3A_350 = tpu.memref_slice %arg8[%dma_wait3A_342, %dma_wait3A_349] : memref<4x128xi32, #tpu.memory_space<vmem>> -> memref<1x128xi32, #tpu.memory_space<vmem>>
        %dma_wait3A_351 = tpu.memref_squeeze %dma_wait3A_350 : memref<1x128xi32, #tpu.memory_space<vmem>> -> memref<128xi32, #tpu.memory_space<vmem>>
        %dma_wait3A_352 = arith.constant 0 : i32
        %dma_wait3A_353 = tpu.memref_slice %arg5[%dma_wait3A_340, %dma_wait3A_341, %dma_wait3A_352] : memref<32x128x128xi32, #tpu.memory_space<hbm>> -> memref<1x1x128xi32, #tpu.memory_space<hbm>>
        %dma_wait3A_354 = tpu.memref_squeeze %dma_wait3A_353 : memref<1x1x128xi32, #tpu.memory_space<hbm>> -> memref<128xi32, #tpu.memory_space<hbm>>
        tpu.wait_dma2 semaphore(%arg28 : memref<!tpu.dma_semaphore, #tpu.memory_space<semaphore_mem>>) src(%dma_wait3A_354 : memref<128xi32, #tpu.memory_space<hbm>>) dst(%dma_wait3A_351 : memref<128xi32, #tpu.memory_space<vmem>>)
        %dma_start3A_355 = arith.constant 3 : i32
        %dma_start3A_356 = arith.constant 0 : i32
        %dma_start3A_357 = tpu.memref_slice %arg7[%dma_start3A_355, %dma_start3A_356] : memref<4x128xi32, #tpu.memory_space<vmem>> -> memref<1x128xi32, #tpu.memory_space<vmem>>
        %dma_start3A_358 = tpu.memref_squeeze %dma_start3A_357 : memref<1x128xi32, #tpu.memory_space<vmem>> -> memref<128xi32, #tpu.memory_space<vmem>>
        %dma_start3A_359 = arith.constant 0 : i32
        %dma_start3A_360 = arith.constant 0 : i32
        %dma_start3A_361 = tpu.memref_slice %arg2[%dma_start3A_359, %dma_start3A_360] : memref<100000x128xf32, #tpu.memory_space<hbm>> -> memref<100000x128xf32, #tpu.memory_space<hbm>>
        tpu.enqueue_indirect_dma source(%dma_start3A_361 : memref<100000x128xf32, #tpu.memory_space<hbm>>) target(%arg12 : memref<128x128xf32, #tpu.memory_space<vmem>>) offsets(%dma_start3A_358 : memref<128xi32, #tpu.memory_space<vmem>>) semaphore(%arg20 : memref<!tpu.dma_semaphore, #tpu.memory_space<semaphore_mem>>)
        %dma_start3A_362 = arith.constant 3 : i32
        %dma_start3A_363 = arith.constant 0 : i32
        %dma_start3A_364 = tpu.memref_slice %arg8[%dma_start3A_362, %dma_start3A_363] : memref<4x128xi32, #tpu.memory_space<vmem>> -> memref<1x128xi32, #tpu.memory_space<vmem>>
        %dma_start3A_365 = tpu.memref_squeeze %dma_start3A_364 : memref<1x128xi32, #tpu.memory_space<vmem>> -> memref<128xi32, #tpu.memory_space<vmem>>
        %dma_start3A_366 = arith.constant 0 : i32
        %dma_start3A_367 = arith.constant 0 : i32
        %dma_start3A_368 = tpu.memref_slice %arg3[%dma_start3A_366, %dma_start3A_367] : memref<1024x64xi32, #tpu.memory_space<hbm>> -> memref<1024x64xi32, #tpu.memory_space<hbm>>
        tpu.enqueue_indirect_dma source(%dma_start3A_368 : memref<1024x64xi32, #tpu.memory_space<hbm>>) target(%arg16 : memref<128x64xi32, #tpu.memory_space<vmem>>) offsets(%dma_start3A_365 : memref<128xi32, #tpu.memory_space<vmem>>) semaphore(%arg20 : memref<!tpu.dma_semaphore, #tpu.memory_space<semaphore_mem>>)
      } else {
      }
      %add3A_244 = arith.constant 2 : i32
      %add3A_245 = arith.addi %add3A_228, %add3A_244 : i32
      %lt3A_246 = arith.constant 128 : i32
      %lt3A_247 = arith.cmpi slt, %add3A_245, %lt3A_246 : i32
      %convert_element_type3A_248 = arith.extui %lt3A_247 : i1 to i32
      %cond3A_249 = arith.constant 0 : i32
      %cond3A_250 = arith.cmpi ne, %convert_element_type3A_248, %cond3A_249 : i32
      scf.if %cond3A_250 {
        %add3A_325 = arith.constant 2 : i32
        %add3A_326 = arith.addi %add3A_228, %add3A_325 : i32
        %dma_start3A_327 = arith.constant 0 : i32
        %dma_start3A_328 = arith.constant 0 : i32
        %dma_start3A_329 = tpu.memref_slice %arg7[%dma_start3A_327, %dma_start3A_328] : memref<4x128xi32, #tpu.memory_space<vmem>> -> memref<1x128xi32, #tpu.memory_space<vmem>>
        %dma_start3A_330 = tpu.memref_squeeze %dma_start3A_329 : memref<1x128xi32, #tpu.memory_space<vmem>> -> memref<128xi32, #tpu.memory_space<vmem>>
        %dma_start3A_331 = arith.constant 0 : i32
        %dma_start3A_332 = tpu.memref_slice %arg4[%add3A, %add3A_326, %dma_start3A_331] : memref<32x128x128xi32, #tpu.memory_space<hbm>> -> memref<1x1x128xi32, #tpu.memory_space<hbm>>
        %dma_start3A_333 = tpu.memref_squeeze %dma_start3A_332 : memref<1x1x128xi32, #tpu.memory_space<hbm>> -> memref<128xi32, #tpu.memory_space<hbm>>
        %dma_start3A_334 = arith.constant 0 : i32
        %dma_start3A_335 = tpu.memref_slice %arg7[%dma_start3A_327, %dma_start3A_334] : memref<4x128xi32, #tpu.memory_space<vmem>> -> memref<1x128xi32, #tpu.memory_space<vmem>>
        %dma_start3A_336 = tpu.memref_squeeze %dma_start3A_335 : memref<1x128xi32, #tpu.memory_space<vmem>> -> memref<128xi32, #tpu.memory_space<vmem>>
        %dma_start3A_337 = arith.constant 0 : i32
        %dma_start3A_338 = tpu.memref_slice %arg4[%add3A, %add3A_326, %dma_start3A_337] : memref<32x128x128xi32, #tpu.memory_space<hbm>> -> memref<1x1x128xi32, #tpu.memory_space<hbm>>
        %dma_start3A_339 = tpu.memref_squeeze %dma_start3A_338 : memref<1x1x128xi32, #tpu.memory_space<hbm>> -> memref<128xi32, #tpu.memory_space<hbm>>
        tpu.enqueue_dma source(%dma_start3A_339 : memref<128xi32, #tpu.memory_space<hbm>>) target(%dma_start3A_336 : memref<128xi32, #tpu.memory_space<vmem>>) target_semaphore(%arg25 : memref<!tpu.dma_semaphore, #tpu.memory_space<semaphore_mem>>)
        %dma_start3A_340 = arith.constant 0 : i32
        %dma_start3A_341 = arith.constant 0 : i32
        %dma_start3A_342 = tpu.memref_slice %arg8[%dma_start3A_340, %dma_start3A_341] : memref<4x128xi32, #tpu.memory_space<vmem>> -> memref<1x128xi32, #tpu.memory_space<vmem>>
        %dma_start3A_343 = tpu.memref_squeeze %dma_start3A_342 : memref<1x128xi32, #tpu.memory_space<vmem>> -> memref<128xi32, #tpu.memory_space<vmem>>
        %dma_start3A_344 = arith.constant 0 : i32
        %dma_start3A_345 = tpu.memref_slice %arg5[%add3A, %add3A_326, %dma_start3A_344] : memref<32x128x128xi32, #tpu.memory_space<hbm>> -> memref<1x1x128xi32, #tpu.memory_space<hbm>>
        %dma_start3A_346 = tpu.memref_squeeze %dma_start3A_345 : memref<1x1x128xi32, #tpu.memory_space<hbm>> -> memref<128xi32, #tpu.memory_space<hbm>>
        %dma_start3A_347 = arith.constant 0 : i32
        %dma_start3A_348 = tpu.memref_slice %arg8[%dma_start3A_340, %dma_start3A_347] : memref<4x128xi32, #tpu.memory_space<vmem>> -> memref<1x128xi32, #tpu.memory_space<vmem>>
        %dma_start3A_349 = tpu.memref_squeeze %dma_start3A_348 : memref<1x128xi32, #tpu.memory_space<vmem>> -> memref<128xi32, #tpu.memory_space<vmem>>
        %dma_start3A_350 = arith.constant 0 : i32
        %dma_start3A_351 = tpu.memref_slice %arg5[%add3A, %add3A_326, %dma_start3A_350] : memref<32x128x128xi32, #tpu.memory_space<hbm>> -> memref<1x1x128xi32, #tpu.memory_space<hbm>>
        %dma_start3A_352 = tpu.memref_squeeze %dma_start3A_351 : memref<1x1x128xi32, #tpu.memory_space<hbm>> -> memref<128xi32, #tpu.memory_space<hbm>>
        tpu.enqueue_dma source(%dma_start3A_352 : memref<128xi32, #tpu.memory_space<hbm>>) target(%dma_start3A_349 : memref<128xi32, #tpu.memory_space<vmem>>) target_semaphore(%arg25 : memref<!tpu.dma_semaphore, #tpu.memory_space<semaphore_mem>>)
      } else {
      }
      %dma_wait3A_251 = arith.constant 0 : i32
      %dma_wait3A_252 = arith.constant 0 : i32
      %dma_wait3A_253 = tpu.memref_slice %arg7[%dma_wait3A_251, %dma_wait3A_252] : memref<4x128xi32, #tpu.memory_space<vmem>> -> memref<1x128xi32, #tpu.memory_space<vmem>>
      %dma_wait3A_254 = tpu.memref_squeeze %dma_wait3A_253 : memref<1x128xi32, #tpu.memory_space<vmem>> -> memref<128xi32, #tpu.memory_space<vmem>>
      %dma_wait3A_255 = arith.constant 0 : i32
      %dma_wait3A_256 = arith.constant 0 : i32
      %dma_wait3A_257 = tpu.memref_slice %arg2[%dma_wait3A_255, %dma_wait3A_256] : memref<100000x128xf32, #tpu.memory_space<hbm>> -> memref<100000x128xf32, #tpu.memory_space<hbm>>
      tpu.wait_indirect_dma semaphore(%arg19 : memref<!tpu.dma_semaphore, #tpu.memory_space<semaphore_mem>>) src(%dma_wait3A_257 : memref<100000x128xf32, #tpu.memory_space<hbm>>) dst(%arg11 : memref<128x128xf32, #tpu.memory_space<vmem>>)
      %dma_wait3A_258 = arith.constant 0 : i32
      %dma_wait3A_259 = arith.constant 0 : i32
      %dma_wait3A_260 = tpu.memref_slice %arg8[%dma_wait3A_258, %dma_wait3A_259] : memref<4x128xi32, #tpu.memory_space<vmem>> -> memref<1x128xi32, #tpu.memory_space<vmem>>
      %dma_wait3A_261 = tpu.memref_squeeze %dma_wait3A_260 : memref<1x128xi32, #tpu.memory_space<vmem>> -> memref<128xi32, #tpu.memory_space<vmem>>
      %dma_wait3A_262 = arith.constant 0 : i32
      %dma_wait3A_263 = arith.constant 0 : i32
      %dma_wait3A_264 = tpu.memref_slice %arg3[%dma_wait3A_262, %dma_wait3A_263] : memref<1024x64xi32, #tpu.memory_space<hbm>> -> memref<1024x64xi32, #tpu.memory_space<hbm>>
      tpu.wait_indirect_dma semaphore(%arg19 : memref<!tpu.dma_semaphore, #tpu.memory_space<semaphore_mem>>) src(%dma_wait3A_264 : memref<1024x64xi32, #tpu.memory_space<hbm>>) dst(%arg15 : memref<128x64xi32, #tpu.memory_space<vmem>>)
      %parallel_loop3A_265 = arith.constant 0 : i32
      %parallel_loop3A_266 = arith.constant 128 : i32
      %parallel_loop3A_267 = arith.constant 1 : i32
      scf.for %parallel_loop3A_325 = %parallel_loop3A_265 to %parallel_loop3A_266 step %parallel_loop3A_267  : i32 {
        %parallel_loop3A_326 = arith.index_cast %parallel_loop3A_325 : i32 to index
        %parallel_loop3A_327 = arith.constant 0 : index
        %parallel_loop3A_328 = tpu.vector_load %arg15[%parallel_loop3A_326, %parallel_loop3A_327] {strides = array<i32>} : memref<128x64xi32, #tpu.memory_space<vmem>>, vector<16xi32>,
        %parallel_loop3A_329 = arith.constant 16 : i32
        %parallel_loop3A_330 = vector.broadcast %parallel_loop3A_329 : i32 to vector<16xi32>
        %parallel_loop3A_331 = arith.shli %parallel_loop3A_328, %parallel_loop3A_330 : vector<16xi32>
        %parallel_loop3A_332 = tpu.bitcast %parallel_loop3A_331 : vector<16xi32> -> vector<16xf32>
        %parallel_loop3A_333 = arith.constant -65536 : i32
        %parallel_loop3A_334 = vector.broadcast %parallel_loop3A_333 : i32 to vector<16xi32>
        %parallel_loop3A_335 = arith.andi %parallel_loop3A_328, %parallel_loop3A_334 : vector<16xi32>
        %parallel_loop3A_336 = tpu.bitcast %parallel_loop3A_335 : vector<16xi32> -> vector<16xf32>
        %parallel_loop3A_337 = arith.index_cast %parallel_loop3A_325 : i32 to index
        %parallel_loop3A_338 = arith.constant 0 : index
        %parallel_loop3A_339 = tpu.vector_load %arg11[%parallel_loop3A_337, %parallel_loop3A_338] {strides = array<i32>} : memref<128x128xf32, #tpu.memory_space<vmem>>, vector<16xf32>,
        tpu.vector_store %arg11[%parallel_loop3A_337, %parallel_loop3A_338], %parallel_loop3A_332 {add = true, strides = array<i32>} : memref<128x128xf32, #tpu.memory_space<vmem>>, vector<16xf32>,
        %parallel_loop3A_340 = arith.index_cast %parallel_loop3A_325 : i32 to index
        %parallel_loop3A_341 = arith.constant 64 : index
        %parallel_loop3A_342 = tpu.vector_load %arg11[%parallel_loop3A_340, %parallel_loop3A_341] {strides = array<i32>} : memref<128x128xf32, #tpu.memory_space<vmem>>, vector<16xf32>,
        tpu.vector_store %arg11[%parallel_loop3A_340, %parallel_loop3A_341], %parallel_loop3A_336 {add = true, strides = array<i32>} : memref<128x128xf32, #tpu.memory_space<vmem>>, vector<16xf32>,
        %parallel_loop3A_343 = arith.index_cast %parallel_loop3A_325 : i32 to index
        %parallel_loop3A_344 = arith.constant 16 : index
        %parallel_loop3A_345 = tpu.vector_load %arg15[%parallel_loop3A_343, %parallel_loop3A_344] {strides = array<i32>} : memref<128x64xi32, #tpu.memory_space<vmem>>, vector<16xi32>,
        %parallel_loop3A_346 = arith.constant 16 : i32
        %parallel_loop3A_347 = vector.broadcast %parallel_loop3A_346 : i32 to vector<16xi32>
        %parallel_loop3A_348 = arith.shli %parallel_loop3A_345, %parallel_loop3A_347 : vector<16xi32>
        %parallel_loop3A_349 = tpu.bitcast %parallel_loop3A_348 : vector<16xi32> -> vector<16xf32>
        %parallel_loop3A_350 = arith.constant -65536 : i32
        %parallel_loop3A_351 = vector.broadcast %parallel_loop3A_350 : i32 to vector<16xi32>
        %parallel_loop3A_352 = arith.andi %parallel_loop3A_345, %parallel_loop3A_351 : vector<16xi32>
        %parallel_loop3A_353 = tpu.bitcast %parallel_loop3A_352 : vector<16xi32> -> vector<16xf32>
        %parallel_loop3A_354 = arith.index_cast %parallel_loop3A_325 : i32 to index
        %parallel_loop3A_355 = arith.constant 16 : index
        %parallel_loop3A_356 = tpu.vector_load %arg11[%parallel_loop3A_354, %parallel_loop3A_355] {strides = array<i32>} : memref<128x128xf32, #tpu.memory_space<vmem>>, vector<16xf32>,
        tpu.vector_store %arg11[%parallel_loop3A_354, %parallel_loop3A_355], %parallel_loop3A_349 {add = true, strides = array<i32>} : memref<128x128xf32, #tpu.memory_space<vmem>>, vector<16xf32>,
        %parallel_loop3A_357 = arith.index_cast %parallel_loop3A_325 : i32 to index
        %parallel_loop3A_358 = arith.constant 80 : index
        %parallel_loop3A_359 = tpu.vector_load %arg11[%parallel_loop3A_357, %parallel_loop3A_358] {strides = array<i32>} : memref<128x128xf32, #tpu.memory_space<vmem>>, vector<16xf32>,
        tpu.vector_store %arg11[%parallel_loop3A_357, %parallel_loop3A_358], %parallel_loop3A_353 {add = true, strides = array<i32>} : memref<128x128xf32, #tpu.memory_space<vmem>>, vector<16xf32>,
        %parallel_loop3A_360 = arith.index_cast %parallel_loop3A_325 : i32 to index
        %parallel_loop3A_361 = arith.constant 32 : index
        %parallel_loop3A_362 = tpu.vector_load %arg15[%parallel_loop3A_360, %parallel_loop3A_361] {strides = array<i32>} : memref<128x64xi32, #tpu.memory_space<vmem>>, vector<16xi32>,
        %parallel_loop3A_363 = arith.constant 16 : i32
        %parallel_loop3A_364 = vector.broadcast %parallel_loop3A_363 : i32 to vector<16xi32>
        %parallel_loop3A_365 = arith.shli %parallel_loop3A_362, %parallel_loop3A_364 : vector<16xi32>
        %parallel_loop3A_366 = tpu.bitcast %parallel_loop3A_365 : vector<16xi32> -> vector<16xf32>
        %parallel_loop3A_367 = arith.constant -65536 : i32
        %parallel_loop3A_368 = vector.broadcast %parallel_loop3A_367 : i32 to vector<16xi32>
        %parallel_loop3A_369 = arith.andi %parallel_loop3A_362, %parallel_loop3A_368 : vector<16xi32>
        %parallel_loop3A_370 = tpu.bitcast %parallel_loop3A_369 : vector<16xi32> -> vector<16xf32>
        %parallel_loop3A_371 = arith.index_cast %parallel_loop3A_325 : i32 to index
        %parallel_loop3A_372 = arith.constant 32 : index
        %parallel_loop3A_373 = tpu.vector_load %arg11[%parallel_loop3A_371, %parallel_loop3A_372] {strides = array<i32>} : memref<128x128xf32, #tpu.memory_space<vmem>>, vector<16xf32>,
        tpu.vector_store %arg11[%parallel_loop3A_371, %parallel_loop3A_372], %parallel_loop3A_366 {add = true, strides = array<i32>} : memref<128x128xf32, #tpu.memory_space<vmem>>, vector<16xf32>,
        %parallel_loop3A_374 = arith.index_cast %parallel_loop3A_325 : i32 to index
        %parallel_loop3A_375 = arith.constant 96 : index
        %parallel_loop3A_376 = tpu.vector_load %arg11[%parallel_loop3A_374, %parallel_loop3A_375] {strides = array<i32>} : memref<128x128xf32, #tpu.memory_space<vmem>>, vector<16xf32>,
        tpu.vector_store %arg11[%parallel_loop3A_374, %parallel_loop3A_375], %parallel_loop3A_370 {add = true, strides = array<i32>} : memref<128x128xf32, #tpu.memory_space<vmem>>, vector<16xf32>,
        %parallel_loop3A_377 = arith.index_cast %parallel_loop3A_325 : i32 to index
        %parallel_loop3A_378 = arith.constant 48 : index
        %parallel_loop3A_379 = tpu.vector_load %arg15[%parallel_loop3A_377, %parallel_loop3A_378] {strides = array<i32>} : memref<128x64xi32, #tpu.memory_space<vmem>>, vector<16xi32>,
        %parallel_loop3A_380 = arith.constant 16 : i32
        %parallel_loop3A_381 = vector.broadcast %parallel_loop3A_380 : i32 to vector<16xi32>
        %parallel_loop3A_382 = arith.shli %parallel_loop3A_379, %parallel_loop3A_381 : vector<16xi32>
        %parallel_loop3A_383 = tpu.bitcast %parallel_loop3A_382 : vector<16xi32> -> vector<16xf32>
        %parallel_loop3A_384 = arith.constant -65536 : i32
        %parallel_loop3A_385 = vector.broadcast %parallel_loop3A_384 : i32 to vector<16xi32>
        %parallel_loop3A_386 = arith.andi %parallel_loop3A_379, %parallel_loop3A_385 : vector<16xi32>
        %parallel_loop3A_387 = tpu.bitcast %parallel_loop3A_386 : vector<16xi32> -> vector<16xf32>
        %parallel_loop3A_388 = arith.index_cast %parallel_loop3A_325 : i32 to index
        %parallel_loop3A_389 = arith.constant 48 : index
        %parallel_loop3A_390 = tpu.vector_load %arg11[%parallel_loop3A_388, %parallel_loop3A_389] {strides = array<i32>} : memref<128x128xf32, #tpu.memory_space<vmem>>, vector<16xf32>,
        tpu.vector_store %arg11[%parallel_loop3A_388, %parallel_loop3A_389], %parallel_loop3A_383 {add = true, strides = array<i32>} : memref<128x128xf32, #tpu.memory_space<vmem>>, vector<16xf32>,
        %parallel_loop3A_391 = arith.index_cast %parallel_loop3A_325 : i32 to index
        %parallel_loop3A_392 = arith.constant 112 : index
        %parallel_loop3A_393 = tpu.vector_load %arg11[%parallel_loop3A_391, %parallel_loop3A_392] {strides = array<i32>} : memref<128x128xf32, #tpu.memory_space<vmem>>, vector<16xf32>,
        tpu.vector_store %arg11[%parallel_loop3A_391, %parallel_loop3A_392], %parallel_loop3A_387 {add = true, strides = array<i32>} : memref<128x128xf32, #tpu.memory_space<vmem>>, vector<16xf32>,
      } {sc.loop_unroll_factor = 4 : i64, sc.parallel_access}
      %mul3A_268 = arith.constant 128 : i32
      %mul3A_269 = arith.muli %add3A_228, %mul3A_268 : i32
      %add3A_270 = arith.addi %mul3A_2, %mul3A_269 : i32
      %dma_start3A_271 = arith.constant 0 : i32
      %dma_start3A_272 = tpu.memref_slice %arg6[%add3A_270, %dma_start3A_271] : memref<524288x128xf32, #tpu.memory_space<hbm>> -> memref<128x128xf32, #tpu.memory_space<hbm>>
      %dma_start3A_273 = arith.constant 0 : i32
      %dma_start3A_274 = tpu.memref_slice %arg6[%add3A_270, %dma_start3A_273] : memref<524288x128xf32, #tpu.memory_space<hbm>> -> memref<128x128xf32, #tpu.memory_space<hbm>>
      tpu.enqueue_dma source(%arg11 : memref<128x128xf32, #tpu.memory_space<vmem>>) target(%dma_start3A_274 : memref<128x128xf32, #tpu.memory_space<hbm>>) target_semaphore(%arg23 : memref<!tpu.dma_semaphore, #tpu.memory_space<semaphore_mem>>)
      %mul3A_275 = arith.constant 4 : i32
      %mul3A_276 = arith.muli %mul3A_275, %scan3A_130 : i32
      %add3A_277 = arith.constant 3 : i32
      %add3A_278 = arith.addi %mul3A_276, %add3A_277 : i32
      %add3A_279 = arith.constant 1 : i32
      %add3A_280 = arith.addi %add3A_278, %add3A_279 : i32
      %ge3A_281 = arith.constant 3 : i32
      %ge3A_282 = arith.cmpi sge, %add3A_278, %ge3A_281 : i32
      %lt3A_283 = arith.constant 128 : i32
      %lt3A_284 = arith.cmpi slt, %add3A_280, %lt3A_283 : i32
      %and3A_285 = arith.andi %ge3A_282, %lt3A_284 : i1
      %convert_element_type3A_286 = arith.extui %and3A_285 : i1 to i32
      %cond3A_287 = arith.constant 0 : i32
      %cond3A_288 = arith.cmpi ne, %convert_element_type3A_286, %cond3A_287 : i32
      scf.if %cond3A_288 {
        %dma_wait3A_325 = arith.constant 0 : i32
        %dma_wait3A_326 = arith.constant 0 : i32
        %dma_wait3A_327 = tpu.memref_slice %arg6[%dma_wait3A_325, %dma_wait3A_326] : memref<524288x128xf32, #tpu.memory_space<hbm>> -> memref<128x128xf32, #tpu.memory_space<hbm>>
        %dma_wait3A_328 = arith.constant 0 : i32
        %dma_wait3A_329 = arith.constant 0 : i32
        %dma_wait3A_330 = tpu.memref_slice %arg6[%dma_wait3A_328, %dma_wait3A_329] : memref<524288x128xf32, #tpu.memory_space<hbm>> -> memref<128x128xf32, #tpu.memory_space<hbm>>
        tpu.wait_dma2 semaphore(%arg21 : memref<!tpu.dma_semaphore, #tpu.memory_space<semaphore_mem>>) src(%arg9 : memref<128x128xf32, #tpu.memory_space<vmem>>) dst(%dma_wait3A_330 : memref<128x128xf32, #tpu.memory_space<hbm>>)
      } else {
      }
      %lt3A_289 = arith.constant 128 : i32
      %lt3A_290 = arith.cmpi slt, %add3A_280, %lt3A_289 : i32
      %convert_element_type3A_291 = arith.extui %lt3A_290 : i1 to i32
      %cond3A_292 = arith.constant 0 : i32
      %cond3A_293 = arith.cmpi ne, %convert_element_type3A_291, %cond3A_292 : i32
      scf.if %cond3A_293 {
        %dma_wait3A_325 = arith.constant 0 : i32
        %dma_wait3A_326 = arith.constant 0 : i32
        %dma_wait3A_327 = arith.constant 0 : i32
        %dma_wait3A_328 = arith.constant 0 : i32
        %dma_wait3A_329 = tpu.memref_slice %arg7[%dma_wait3A_327, %dma_wait3A_328] : memref<4x128xi32, #tpu.memory_space<vmem>> -> memref<1x128xi32, #tpu.memory_space<vmem>>
        %dma_wait3A_330 = tpu.memref_squeeze %dma_wait3A_329 : memref<1x128xi32, #tpu.memory_space<vmem>> -> memref<128xi32, #tpu.memory_space<vmem>>
        %dma_wait3A_331 = arith.constant 0 : i32
        %dma_wait3A_332 = tpu.memref_slice %arg4[%dma_wait3A_325, %dma_wait3A_326, %dma_wait3A_331] : memref<32x128x128xi32, #tpu.memory_space<hbm>> -> memref<1x1x128xi32, #tpu.memory_space<hbm>>
        %dma_wait3A_333 = tpu.memref_squeeze %dma_wait3A_332 : memref<1x1x128xi32, #tpu.memory_space<hbm>> -> memref<128xi32, #tpu.memory_space<hbm>>
        %dma_wait3A_334 = arith.constant 0 : i32
        %dma_wait3A_335 = tpu.memref_slice %arg7[%dma_wait3A_327, %dma_wait3A_334] : memref<4x128xi32, #tpu.memory_space<vmem>> -> memref<1x128xi32, #tpu.memory_space<vmem>>
        %dma_wait3A_336 = tpu.memref_squeeze %dma_wait3A_335 : memref<1x128xi32, #tpu.memory_space<vmem>> -> memref<128xi32, #tpu.memory_space<vmem>>
        %dma_wait3A_337 = arith.constant 0 : i32
        %dma_wait3A_338 = tpu.memref_slice %arg4[%dma_wait3A_325, %dma_wait3A_326, %dma_wait3A_337] : memref<32x128x128xi32, #tpu.memory_space<hbm>> -> memref<1x1x128xi32, #tpu.memory_space<hbm>>
        %dma_wait3A_339 = tpu.memref_squeeze %dma_wait3A_338 : memref<1x1x128xi32, #tpu.memory_space<hbm>> -> memref<128xi32, #tpu.memory_space<hbm>>
        tpu.wait_dma2 semaphore(%arg25 : memref<!tpu.dma_semaphore, #tpu.memory_space<semaphore_mem>>) src(%dma_wait3A_339 : memref<128xi32, #tpu.memory_space<hbm>>) dst(%dma_wait3A_336 : memref<128xi32, #tpu.memory_space<vmem>>)
        %dma_wait3A_340 = arith.constant 0 : i32
        %dma_wait3A_341 = arith.constant 0 : i32
        %dma_wait3A_342 = arith.constant 0 : i32
        %dma_wait3A_343 = arith.constant 0 : i32
        %dma_wait3A_344 = tpu.memref_slice %arg8[%dma_wait3A_342, %dma_wait3A_343] : memref<4x128xi32, #tpu.memory_space<vmem>> -> memref<1x128xi32, #tpu.memory_space<vmem>>
        %dma_wait3A_345 = tpu.memref_squeeze %dma_wait3A_344 : memref<1x128xi32, #tpu.memory_space<vmem>> -> memref<128xi32, #tpu.memory_space<vmem>>
        %dma_wait3A_346 = arith.constant 0 : i32
        %dma_wait3A_347 = tpu.memref_slice %arg5[%dma_wait3A_340, %dma_wait3A_341, %dma_wait3A_346] : memref<32x128x128xi32, #tpu.memory_space<hbm>> -> memref<1x1x128xi32, #tpu.memory_space<hbm>>
        %dma_wait3A_348 = tpu.memref_squeeze %dma_wait3A_347 : memref<1x1x128xi32, #tpu.memory_space<hbm>> -> memref<128xi32, #tpu.memory_space<hbm>>
        %dma_wait3A_349 = arith.constant 0 : i32
        %dma_wait3A_350 = tpu.memref_slice %arg8[%dma_wait3A_342, %dma_wait3A_349] : memref<4x128xi32, #tpu.memory_space<vmem>> -> memref<1x128xi32, #tpu.memory_space<vmem>>
        %dma_wait3A_351 = tpu.memref_squeeze %dma_wait3A_350 : memref<1x128xi32, #tpu.memory_space<vmem>> -> memref<128xi32, #tpu.memory_space<vmem>>
        %dma_wait3A_352 = arith.constant 0 : i32
        %dma_wait3A_353 = tpu.memref_slice %arg5[%dma_wait3A_340, %dma_wait3A_341, %dma_wait3A_352] : memref<32x128x128xi32, #tpu.memory_space<hbm>> -> memref<1x1x128xi32, #tpu.memory_space<hbm>>
        %dma_wait3A_354 = tpu.memref_squeeze %dma_wait3A_353 : memref<1x1x128xi32, #tpu.memory_space<hbm>> -> memref<128xi32, #tpu.memory_space<hbm>>
        tpu.wait_dma2 semaphore(%arg25 : memref<!tpu.dma_semaphore, #tpu.memory_space<semaphore_mem>>) src(%dma_wait3A_354 : memref<128xi32, #tpu.memory_space<hbm>>) dst(%dma_wait3A_351 : memref<128xi32, #tpu.memory_space<vmem>>)
        %dma_start3A_355 = arith.constant 0 : i32
        %dma_start3A_356 = arith.constant 0 : i32
        %dma_start3A_357 = tpu.memref_slice %arg7[%dma_start3A_355, %dma_start3A_356] : memref<4x128xi32, #tpu.memory_space<vmem>> -> memref<1x128xi32, #tpu.memory_space<vmem>>
        %dma_start3A_358 = tpu.memref_squeeze %dma_start3A_357 : memref<1x128xi32, #tpu.memory_space<vmem>> -> memref<128xi32, #tpu.memory_space<vmem>>
        %dma_start3A_359 = arith.constant 0 : i32
        %dma_start3A_360 = arith.constant 0 : i32
        %dma_start3A_361 = tpu.memref_slice %arg2[%dma_start3A_359, %dma_start3A_360] : memref<100000x128xf32, #tpu.memory_space<hbm>> -> memref<100000x128xf32, #tpu.memory_space<hbm>>
        tpu.enqueue_indirect_dma source(%dma_start3A_361 : memref<100000x128xf32, #tpu.memory_space<hbm>>) target(%arg9 : memref<128x128xf32, #tpu.memory_space<vmem>>) offsets(%dma_start3A_358 : memref<128xi32, #tpu.memory_space<vmem>>) semaphore(%arg17 : memref<!tpu.dma_semaphore, #tpu.memory_space<semaphore_mem>>)
        %dma_start3A_362 = arith.constant 0 : i32
        %dma_start3A_363 = arith.constant 0 : i32
        %dma_start3A_364 = tpu.memref_slice %arg8[%dma_start3A_362, %dma_start3A_363] : memref<4x128xi32, #tpu.memory_space<vmem>> -> memref<1x128xi32, #tpu.memory_space<vmem>>
        %dma_start3A_365 = tpu.memref_squeeze %dma_start3A_364 : memref<1x128xi32, #tpu.memory_space<vmem>> -> memref<128xi32, #tpu.memory_space<vmem>>
        %dma_start3A_366 = arith.constant 0 : i32
        %dma_start3A_367 = arith.constant 0 : i32
        %dma_start3A_368 = tpu.memref_slice %arg3[%dma_start3A_366, %dma_start3A_367] : memref<1024x64xi32, #tpu.memory_space<hbm>> -> memref<1024x64xi32, #tpu.memory_space<hbm>>
        tpu.enqueue_indirect_dma source(%dma_start3A_368 : memref<1024x64xi32, #tpu.memory_space<hbm>>) target(%arg13 : memref<128x64xi32, #tpu.memory_space<vmem>>) offsets(%dma_start3A_365 : memref<128xi32, #tpu.memory_space<vmem>>) semaphore(%arg17 : memref<!tpu.dma_semaphore, #tpu.memory_space<semaphore_mem>>)
      } else {
      }
      %add3A_294 = arith.constant 2 : i32
      %add3A_295 = arith.addi %add3A_278, %add3A_294 : i32
      %lt3A_296 = arith.constant 128 : i32
      %lt3A_297 = arith.cmpi slt, %add3A_295, %lt3A_296 : i32
      %convert_element_type3A_298 = arith.extui %lt3A_297 : i1 to i32
      %cond3A_299 = arith.constant 0 : i32
      %cond3A_300 = arith.cmpi ne, %convert_element_type3A_298, %cond3A_299 : i32
      scf.if %cond3A_300 {
        %add3A_325 = arith.constant 2 : i32
        %add3A_326 = arith.addi %add3A_278, %add3A_325 : i32
        %dma_start3A_327 = arith.constant 1 : i32
        %dma_start3A_328 = arith.constant 0 : i32
        %dma_start3A_329 = tpu.memref_slice %arg7[%dma_start3A_327, %dma_start3A_328] : memref<4x128xi32, #tpu.memory_space<vmem>> -> memref<1x128xi32, #tpu.memory_space<vmem>>
        %dma_start3A_330 = tpu.memref_squeeze %dma_start3A_329 : memref<1x128xi32, #tpu.memory_space<vmem>> -> memref<128xi32, #tpu.memory_space<vmem>>
        %dma_start3A_331 = arith.constant 0 : i32
        %dma_start3A_332 = tpu.memref_slice %arg4[%add3A, %add3A_326, %dma_start3A_331] : memref<32x128x128xi32, #tpu.memory_space<hbm>> -> memref<1x1x128xi32, #tpu.memory_space<hbm>>
        %dma_start3A_333 = tpu.memref_squeeze %dma_start3A_332 : memref<1x1x128xi32, #tpu.memory_space<hbm>> -> memref<128xi32, #tpu.memory_space<hbm>>
        %dma_start3A_334 = arith.constant 0 : i32
        %dma_start3A_335 = tpu.memref_slice %arg7[%dma_start3A_327, %dma_start3A_334] : memref<4x128xi32, #tpu.memory_space<vmem>> -> memref<1x128xi32, #tpu.memory_space<vmem>>
        %dma_start3A_336 = tpu.memref_squeeze %dma_start3A_335 : memref<1x128xi32, #tpu.memory_space<vmem>> -> memref<128xi32, #tpu.memory_space<vmem>>
        %dma_start3A_337 = arith.constant 0 : i32
        %dma_start3A_338 = tpu.memref_slice %arg4[%add3A, %add3A_326, %dma_start3A_337] : memref<32x128x128xi32, #tpu.memory_space<hbm>> -> memref<1x1x128xi32, #tpu.memory_space<hbm>>
        %dma_start3A_339 = tpu.memref_squeeze %dma_start3A_338 : memref<1x1x128xi32, #tpu.memory_space<hbm>> -> memref<128xi32, #tpu.memory_space<hbm>>
        tpu.enqueue_dma source(%dma_start3A_339 : memref<128xi32, #tpu.memory_space<hbm>>) target(%dma_start3A_336 : memref<128xi32, #tpu.memory_space<vmem>>) target_semaphore(%arg26 : memref<!tpu.dma_semaphore, #tpu.memory_space<semaphore_mem>>)
        %dma_start3A_340 = arith.constant 1 : i32
        %dma_start3A_341 = arith.constant 0 : i32
        %dma_start3A_342 = tpu.memref_slice %arg8[%dma_start3A_340, %dma_start3A_341] : memref<4x128xi32, #tpu.memory_space<vmem>> -> memref<1x128xi32, #tpu.memory_space<vmem>>
        %dma_start3A_343 = tpu.memref_squeeze %dma_start3A_342 : memref<1x128xi32, #tpu.memory_space<vmem>> -> memref<128xi32, #tpu.memory_space<vmem>>
        %dma_start3A_344 = arith.constant 0 : i32
        %dma_start3A_345 = tpu.memref_slice %arg5[%add3A, %add3A_326, %dma_start3A_344] : memref<32x128x128xi32, #tpu.memory_space<hbm>> -> memref<1x1x128xi32, #tpu.memory_space<hbm>>
        %dma_start3A_346 = tpu.memref_squeeze %dma_start3A_345 : memref<1x1x128xi32, #tpu.memory_space<hbm>> -> memref<128xi32, #tpu.memory_space<hbm>>
        %dma_start3A_347 = arith.constant 0 : i32
        %dma_start3A_348 = tpu.memref_slice %arg8[%dma_start3A_340, %dma_start3A_347] : memref<4x128xi32, #tpu.memory_space<vmem>> -> memref<1x128xi32, #tpu.memory_space<vmem>>
        %dma_start3A_349 = tpu.memref_squeeze %dma_start3A_348 : memref<1x128xi32, #tpu.memory_space<vmem>> -> memref<128xi32, #tpu.memory_space<vmem>>
        %dma_start3A_350 = arith.constant 0 : i32
        %dma_start3A_351 = tpu.memref_slice %arg5[%add3A, %add3A_326, %dma_start3A_350] : memref<32x128x128xi32, #tpu.memory_space<hbm>> -> memref<1x1x128xi32, #tpu.memory_space<hbm>>
        %dma_start3A_352 = tpu.memref_squeeze %dma_start3A_351 : memref<1x1x128xi32, #tpu.memory_space<hbm>> -> memref<128xi32, #tpu.memory_space<hbm>>
        tpu.enqueue_dma source(%dma_start3A_352 : memref<128xi32, #tpu.memory_space<hbm>>) target(%dma_start3A_349 : memref<128xi32, #tpu.memory_space<vmem>>) target_semaphore(%arg26 : memref<!tpu.dma_semaphore, #tpu.memory_space<semaphore_mem>>)
      } else {
      }
      %dma_wait3A_301 = arith.constant 0 : i32
      %dma_wait3A_302 = arith.constant 0 : i32
      %dma_wait3A_303 = tpu.memref_slice %arg7[%dma_wait3A_301, %dma_wait3A_302] : memref<4x128xi32, #tpu.memory_space<vmem>> -> memref<1x128xi32, #tpu.memory_space<vmem>>
      %dma_wait3A_304 = tpu.memref_squeeze %dma_wait3A_303 : memref<1x128xi32, #tpu.memory_space<vmem>> -> memref<128xi32, #tpu.memory_space<vmem>>
      %dma_wait3A_305 = arith.constant 0 : i32
      %dma_wait3A_306 = arith.constant 0 : i32
      %dma_wait3A_307 = tpu.memref_slice %arg2[%dma_wait3A_305, %dma_wait3A_306] : memref<100000x128xf32, #tpu.memory_space<hbm>> -> memref<100000x128xf32, #tpu.memory_space<hbm>>
      tpu.wait_indirect_dma semaphore(%arg20 : memref<!tpu.dma_semaphore, #tpu.memory_space<semaphore_mem>>) src(%dma_wait3A_307 : memref<100000x128xf32, #tpu.memory_space<hbm>>) dst(%arg12 : memref<128x128xf32, #tpu.memory_space<vmem>>)
      %dma_wait3A_308 = arith.constant 0 : i32
      %dma_wait3A_309 = arith.constant 0 : i32
      %dma_wait3A_310 = tpu.memref_slice %arg8[%dma_wait3A_308, %dma_wait3A_309] : memref<4x128xi32, #tpu.memory_space<vmem>> -> memref<1x128xi32, #tpu.memory_space<vmem>>
      %dma_wait3A_311 = tpu.memref_squeeze %dma_wait3A_310 : memref<1x128xi32, #tpu.memory_space<vmem>> -> memref<128xi32, #tpu.memory_space<vmem>>
      %dma_wait3A_312 = arith.constant 0 : i32
      %dma_wait3A_313 = arith.constant 0 : i32
      %dma_wait3A_314 = tpu.memref_slice %arg3[%dma_wait3A_312, %dma_wait3A_313] : memref<1024x64xi32, #tpu.memory_space<hbm>> -> memref<1024x64xi32, #tpu.memory_space<hbm>>
      tpu.wait_indirect_dma semaphore(%arg20 : memref<!tpu.dma_semaphore, #tpu.memory_space<semaphore_mem>>) src(%dma_wait3A_314 : memref<1024x64xi32, #tpu.memory_space<hbm>>) dst(%arg16 : memref<128x64xi32, #tpu.memory_space<vmem>>)
      %parallel_loop3A_315 = arith.constant 0 : i32
      %parallel_loop3A_316 = arith.constant 128 : i32
      %parallel_loop3A_317 = arith.constant 1 : i32
      scf.for %parallel_loop3A_325 = %parallel_loop3A_315 to %parallel_loop3A_316 step %parallel_loop3A_317  : i32 {
        %parallel_loop3A_326 = arith.index_cast %parallel_loop3A_325 : i32 to index
        %parallel_loop3A_327 = arith.constant 0 : index
        %parallel_loop3A_328 = tpu.vector_load %arg16[%parallel_loop3A_326, %parallel_loop3A_327] {strides = array<i32>} : memref<128x64xi32, #tpu.memory_space<vmem>>, vector<16xi32>,
        %parallel_loop3A_329 = arith.constant 16 : i32
        %parallel_loop3A_330 = vector.broadcast %parallel_loop3A_329 : i32 to vector<16xi32>
        %parallel_loop3A_331 = arith.shli %parallel_loop3A_328, %parallel_loop3A_330 : vector<16xi32>
        %parallel_loop3A_332 = tpu.bitcast %parallel_loop3A_331 : vector<16xi32> -> vector<16xf32>
        %parallel_loop3A_333 = arith.constant -65536 : i32
        %parallel_loop3A_334 = vector.broadcast %parallel_loop3A_333 : i32 to vector<16xi32>
        %parallel_loop3A_335 = arith.andi %parallel_loop3A_328, %parallel_loop3A_334 : vector<16xi32>
        %parallel_loop3A_336 = tpu.bitcast %parallel_loop3A_335 : vector<16xi32> -> vector<16xf32>
        %parallel_loop3A_337 = arith.index_cast %parallel_loop3A_325 : i32 to index
        %parallel_loop3A_338 = arith.constant 0 : index
        %parallel_loop3A_339 = tpu.vector_load %arg12[%parallel_loop3A_337, %parallel_loop3A_338] {strides = array<i32>} : memref<128x128xf32, #tpu.memory_space<vmem>>, vector<16xf32>,
        tpu.vector_store %arg12[%parallel_loop3A_337, %parallel_loop3A_338], %parallel_loop3A_332 {add = true, strides = array<i32>} : memref<128x128xf32, #tpu.memory_space<vmem>>, vector<16xf32>,
        %parallel_loop3A_340 = arith.index_cast %parallel_loop3A_325 : i32 to index
        %parallel_loop3A_341 = arith.constant 64 : index
        %parallel_loop3A_342 = tpu.vector_load %arg12[%parallel_loop3A_340, %parallel_loop3A_341] {strides = array<i32>} : memref<128x128xf32, #tpu.memory_space<vmem>>, vector<16xf32>,
        tpu.vector_store %arg12[%parallel_loop3A_340, %parallel_loop3A_341], %parallel_loop3A_336 {add = true, strides = array<i32>} : memref<128x128xf32, #tpu.memory_space<vmem>>, vector<16xf32>,
        %parallel_loop3A_343 = arith.index_cast %parallel_loop3A_325 : i32 to index
        %parallel_loop3A_344 = arith.constant 16 : index
        %parallel_loop3A_345 = tpu.vector_load %arg16[%parallel_loop3A_343, %parallel_loop3A_344] {strides = array<i32>} : memref<128x64xi32, #tpu.memory_space<vmem>>, vector<16xi32>,
        %parallel_loop3A_346 = arith.constant 16 : i32
        %parallel_loop3A_347 = vector.broadcast %parallel_loop3A_346 : i32 to vector<16xi32>
        %parallel_loop3A_348 = arith.shli %parallel_loop3A_345, %parallel_loop3A_347 : vector<16xi32>
        %parallel_loop3A_349 = tpu.bitcast %parallel_loop3A_348 : vector<16xi32> -> vector<16xf32>
        %parallel_loop3A_350 = arith.constant -65536 : i32
        %parallel_loop3A_351 = vector.broadcast %parallel_loop3A_350 : i32 to vector<16xi32>
        %parallel_loop3A_352 = arith.andi %parallel_loop3A_345, %parallel_loop3A_351 : vector<16xi32>
        %parallel_loop3A_353 = tpu.bitcast %parallel_loop3A_352 : vector<16xi32> -> vector<16xf32>
        %parallel_loop3A_354 = arith.index_cast %parallel_loop3A_325 : i32 to index
        %parallel_loop3A_355 = arith.constant 16 : index
        %parallel_loop3A_356 = tpu.vector_load %arg12[%parallel_loop3A_354, %parallel_loop3A_355] {strides = array<i32>} : memref<128x128xf32, #tpu.memory_space<vmem>>, vector<16xf32>,
        tpu.vector_store %arg12[%parallel_loop3A_354, %parallel_loop3A_355], %parallel_loop3A_349 {add = true, strides = array<i32>} : memref<128x128xf32, #tpu.memory_space<vmem>>, vector<16xf32>,
        %parallel_loop3A_357 = arith.index_cast %parallel_loop3A_325 : i32 to index
        %parallel_loop3A_358 = arith.constant 80 : index
        %parallel_loop3A_359 = tpu.vector_load %arg12[%parallel_loop3A_357, %parallel_loop3A_358] {strides = array<i32>} : memref<128x128xf32, #tpu.memory_space<vmem>>, vector<16xf32>,
        tpu.vector_store %arg12[%parallel_loop3A_357, %parallel_loop3A_358], %parallel_loop3A_353 {add = true, strides = array<i32>} : memref<128x128xf32, #tpu.memory_space<vmem>>, vector<16xf32>,
        %parallel_loop3A_360 = arith.index_cast %parallel_loop3A_325 : i32 to index
        %parallel_loop3A_361 = arith.constant 32 : index
        %parallel_loop3A_362 = tpu.vector_load %arg16[%parallel_loop3A_360, %parallel_loop3A_361] {strides = array<i32>} : memref<128x64xi32, #tpu.memory_space<vmem>>, vector<16xi32>,
        %parallel_loop3A_363 = arith.constant 16 : i32
        %parallel_loop3A_364 = vector.broadcast %parallel_loop3A_363 : i32 to vector<16xi32>
        %parallel_loop3A_365 = arith.shli %parallel_loop3A_362, %parallel_loop3A_364 : vector<16xi32>
        %parallel_loop3A_366 = tpu.bitcast %parallel_loop3A_365 : vector<16xi32> -> vector<16xf32>
        %parallel_loop3A_367 = arith.constant -65536 : i32
        %parallel_loop3A_368 = vector.broadcast %parallel_loop3A_367 : i32 to vector<16xi32>
        %parallel_loop3A_369 = arith.andi %parallel_loop3A_362, %parallel_loop3A_368 : vector<16xi32>
        %parallel_loop3A_370 = tpu.bitcast %parallel_loop3A_369 : vector<16xi32> -> vector<16xf32>
        %parallel_loop3A_371 = arith.index_cast %parallel_loop3A_325 : i32 to index
        %parallel_loop3A_372 = arith.constant 32 : index
        %parallel_loop3A_373 = tpu.vector_load %arg12[%parallel_loop3A_371, %parallel_loop3A_372] {strides = array<i32>} : memref<128x128xf32, #tpu.memory_space<vmem>>, vector<16xf32>,
        tpu.vector_store %arg12[%parallel_loop3A_371, %parallel_loop3A_372], %parallel_loop3A_366 {add = true, strides = array<i32>} : memref<128x128xf32, #tpu.memory_space<vmem>>, vector<16xf32>,
        %parallel_loop3A_374 = arith.index_cast %parallel_loop3A_325 : i32 to index
        %parallel_loop3A_375 = arith.constant 96 : index
        %parallel_loop3A_376 = tpu.vector_load %arg12[%parallel_loop3A_374, %parallel_loop3A_375] {strides = array<i32>} : memref<128x128xf32, #tpu.memory_space<vmem>>, vector<16xf32>,
        tpu.vector_store %arg12[%parallel_loop3A_374, %parallel_loop3A_375], %parallel_loop3A_370 {add = true, strides = array<i32>} : memref<128x128xf32, #tpu.memory_space<vmem>>, vector<16xf32>,
        %parallel_loop3A_377 = arith.index_cast %parallel_loop3A_325 : i32 to index
        %parallel_loop3A_378 = arith.constant 48 : index
        %parallel_loop3A_379 = tpu.vector_load %arg16[%parallel_loop3A_377, %parallel_loop3A_378] {strides = array<i32>} : memref<128x64xi32, #tpu.memory_space<vmem>>, vector<16xi32>,
        %parallel_loop3A_380 = arith.constant 16 : i32
        %parallel_loop3A_381 = vector.broadcast %parallel_loop3A_380 : i32 to vector<16xi32>
        %parallel_loop3A_382 = arith.shli %parallel_loop3A_379, %parallel_loop3A_381 : vector<16xi32>
        %parallel_loop3A_383 = tpu.bitcast %parallel_loop3A_382 : vector<16xi32> -> vector<16xf32>
        %parallel_loop3A_384 = arith.constant -65536 : i32
        %parallel_loop3A_385 = vector.broadcast %parallel_loop3A_384 : i32 to vector<16xi32>
        %parallel_loop3A_386 = arith.andi %parallel_loop3A_379, %parallel_loop3A_385 : vector<16xi32>
        %parallel_loop3A_387 = tpu.bitcast %parallel_loop3A_386 : vector<16xi32> -> vector<16xf32>
        %parallel_loop3A_388 = arith.index_cast %parallel_loop3A_325 : i32 to index
        %parallel_loop3A_389 = arith.constant 48 : index
        %parallel_loop3A_390 = tpu.vector_load %arg12[%parallel_loop3A_388, %parallel_loop3A_389] {strides = array<i32>} : memref<128x128xf32, #tpu.memory_space<vmem>>, vector<16xf32>,
        tpu.vector_store %arg12[%parallel_loop3A_388, %parallel_loop3A_389], %parallel_loop3A_383 {add = true, strides = array<i32>} : memref<128x128xf32, #tpu.memory_space<vmem>>, vector<16xf32>,
        %parallel_loop3A_391 = arith.index_cast %parallel_loop3A_325 : i32 to index
        %parallel_loop3A_392 = arith.constant 112 : index
        %parallel_loop3A_393 = tpu.vector_load %arg12[%parallel_loop3A_391, %parallel_loop3A_392] {strides = array<i32>} : memref<128x128xf32, #tpu.memory_space<vmem>>, vector<16xf32>,
        tpu.vector_store %arg12[%parallel_loop3A_391, %parallel_loop3A_392], %parallel_loop3A_387 {add = true, strides = array<i32>} : memref<128x128xf32, #tpu.memory_space<vmem>>, vector<16xf32>,
      } {sc.loop_unroll_factor = 4 : i64, sc.parallel_access}
      %mul3A_318 = arith.constant 128 : i32
      %mul3A_319 = arith.muli %add3A_278, %mul3A_318 : i32
      %add3A_320 = arith.addi %mul3A_2, %mul3A_319 : i32
      %dma_start3A_321 = arith.constant 0 : i32
      %dma_start3A_322 = tpu.memref_slice %arg6[%add3A_320, %dma_start3A_321] : memref<524288x128xf32, #tpu.memory_space<hbm>> -> memref<128x128xf32, #tpu.memory_space<hbm>>
      %dma_start3A_323 = arith.constant 0 : i32
      %dma_start3A_324 = tpu.memref_slice %arg6[%add3A_320, %dma_start3A_323] : memref<524288x128xf32, #tpu.memory_space<hbm>> -> memref<128x128xf32, #tpu.memory_space<hbm>>
      tpu.enqueue_dma source(%arg12 : memref<128x128xf32, #tpu.memory_space<vmem>>) target(%dma_start3A_324 : memref<128x128xf32, #tpu.memory_space<hbm>>) target_semaphore(%arg24 : memref<!tpu.dma_semaphore, #tpu.memory_space<semaphore_mem>>)
    }
    %scan3A_105 = arith.constant 32 : i32
    %dma_wait3A_106 = arith.constant 0 : i32
    %dma_wait3A_107 = arith.constant 0 : i32
    %dma_wait3A_108 = tpu.memref_slice %arg6[%dma_wait3A_106, %dma_wait3A_107] : memref<524288x128xf32, #tpu.memory_space<hbm>> -> memref<128x128xf32, #tpu.memory_space<hbm>>
    %dma_wait3A_109 = arith.constant 0 : i32
    %dma_wait3A_110 = arith.constant 0 : i32
    %dma_wait3A_111 = tpu.memref_slice %arg6[%dma_wait3A_109, %dma_wait3A_110] : memref<524288x128xf32, #tpu.memory_space<hbm>> -> memref<128x128xf32, #tpu.memory_space<hbm>>
    tpu.wait_dma2 semaphore(%arg21 : memref<!tpu.dma_semaphore, #tpu.memory_space<semaphore_mem>>) src(%arg9 : memref<128x128xf32, #tpu.memory_space<vmem>>) dst(%dma_wait3A_111 : memref<128x128xf32, #tpu.memory_space<hbm>>)
    %dma_wait3A_112 = arith.constant 0 : i32
    %dma_wait3A_113 = arith.constant 0 : i32
    %dma_wait3A_114 = tpu.memref_slice %arg6[%dma_wait3A_112, %dma_wait3A_113] : memref<524288x128xf32, #tpu.memory_space<hbm>> -> memref<128x128xf32, #tpu.memory_space<hbm>>
    %dma_wait3A_115 = arith.constant 0 : i32
    %dma_wait3A_116 = arith.constant 0 : i32
    %dma_wait3A_117 = tpu.memref_slice %arg6[%dma_wait3A_115, %dma_wait3A_116] : memref<524288x128xf32, #tpu.memory_space<hbm>> -> memref<128x128xf32, #tpu.memory_space<hbm>>
    tpu.wait_dma2 semaphore(%arg22 : memref<!tpu.dma_semaphore, #tpu.memory_space<semaphore_mem>>) src(%arg10 : memref<128x128xf32, #tpu.memory_space<vmem>>) dst(%dma_wait3A_117 : memref<128x128xf32, #tpu.memory_space<hbm>>)
    %dma_wait3A_118 = arith.constant 0 : i32
    %dma_wait3A_119 = arith.constant 0 : i32
    %dma_wait3A_120 = tpu.memref_slice %arg6[%dma_wait3A_118, %dma_wait3A_119] : memref<524288x128xf32, #tpu.memory_space<hbm>> -> memref<128x128xf32, #tpu.memory_space<hbm>>
    %dma_wait3A_121 = arith.constant 0 : i32
    %dma_wait3A_122 = arith.constant 0 : i32
    %dma_wait3A_123 = tpu.memref_slice %arg6[%dma_wait3A_121, %dma_wait3A_122] : memref<524288x128xf32, #tpu.memory_space<hbm>> -> memref<128x128xf32, #tpu.memory_space<hbm>>
    tpu.wait_dma2 semaphore(%arg23 : memref<!tpu.dma_semaphore, #tpu.memory_space<semaphore_mem>>) src(%arg11 : memref<128x128xf32, #tpu.memory_space<vmem>>) dst(%dma_wait3A_123 : memref<128x128xf32, #tpu.memory_space<hbm>>)
    %dma_wait3A_124 = arith.constant 0 : i32
    %dma_wait3A_125 = arith.constant 0 : i32
    %dma_wait3A_126 = tpu.memref_slice %arg6[%dma_wait3A_124, %dma_wait3A_125] : memref<524288x128xf32, #tpu.memory_space<hbm>> -> memref<128x128xf32, #tpu.memory_space<hbm>>
    %dma_wait3A_127 = arith.constant 0 : i32
    %dma_wait3A_128 = arith.constant 0 : i32
    %dma_wait3A_129 = tpu.memref_slice %arg6[%dma_wait3A_127, %dma_wait3A_128] : memref<524288x128xf32, #tpu.memory_space<hbm>> -> memref<128x128xf32, #tpu.memory_space<hbm>>
    tpu.wait_dma2 semaphore(%arg24 : memref<!tpu.dma_semaphore, #tpu.memory_space<semaphore_mem>>) src(%arg12 : memref<128x128xf32, #tpu.memory_space<vmem>>) dst(%dma_wait3A_129 : memref<128x128xf32, #tpu.memory_space<hbm>>)
    return
  }
}

</mosaic_0001>

<sc_bundles>
// kernel: kernel.3.cloned.1.call-start
scs
__scs_entry_jumppad:
0x0: {  	(pc) =	sbr.rel $0x88, $3  }
0x1: {  	(tag) =	ssettag $0x0;
	lr =	simm.s32 $0x1  }
0x2: {  	[smem:$0x3F9C] =	sst lr;
	_ =	strace $0xD0000000  }
0x3: {  	_ = 	snop  }
0x4: {  	_ = 	snop  }
0x5: {  	_ = 	snop  }
0x6: {  	_ = 	snop  }
0x7: {  	_ = 	snop  }
__scs_overlays_trampoline_lowered:
0x8: {  	[smem:$0x3FAB] =	sst s0  }
0x9: {  	[smem:$0x3FAC] =	sst s1  }
0xa: {  	[smem:$0x3FAD] =	sst s2  }
0xb: {  	[smem:$0x3FAE] =	sst s3  }
0xc: {  	[smem:$0x3FAF] =	sst s4  }
0xd: {  	[smem:$0x3FB0] =	sst s5  }
0xe: {  	[smem:$0x3FB1] =	sst s6  }
0xf: {  	[smem:$0x3FB2] =	sst s7  }
0x10: {  	[smem:$0x3FB3] =	sst s8  }
0x11: {  	[smem:$0x3FB4] =	sst s9;
	s0 =	simm.s32 @!p0 $0x0  }
0x12: {  	s1 =	sld [smem:$0x3F9A];
	s0 =	simm.s32 @p0 $0x1  }
0x13: {  	[smem:$0x3FB5] =	sst s0;
	s0 =	simm.s32 @!p1 $0x0  }
0x14: {  	s2 =	sld [smem:$0x3F99];
	s0 =	simm.s32 @p1 $0x1  }
0x15: {  	[smem:$0x3FB6] =	sst s0;
	s0 =	simm.s32 @!p2 $0x0  }
0x16: {  	s3 =	sld [smem:$0x3FDB];
	s0 =	simm.s32 @p2 $0x1  }
0x17: {  	s4 =	simm.s32 $0x1BF5;
	[smem:$0x3FB8] =	sst s0  }
0x18: {  	s0 =	sld [smem:$0x3F9B];
	_ =	swait.ge [sflag:s4], $0x0  }
0x19: {  	s7 =	sld [smem:$0x3F9C]  }
0x1a: {  	s8 =	sadd.s32 $0xFFFFE003, lr  }
0x1b: {  	s9 =	sadd.s32 $0xFFFFFEF7, lr;
	s5 =	simm.s32 $0xFFFFFFFF;
	p2 =	slt.u32 s8, $0xFFFFF086  }
0x1c: {  	p1 =	slt.u32 s9, $0xF7A;
	s5 =	simm.s32 @!p2 $0x0  }
0x1d: {  	s5 =	simm.s32 @p1 $0x1;
	p0 =	seq.s32 s7, s2  }
0x1e: {  	s7 =	smul.u32 @!p0 $0xF7A, s2;
	p2 =	seq.s32 @!p0 s5, $0x0  }
0x1f: {  	s9 =	smul.u32 $0xF7A, s1;
	s8 =	simm.s32 @!p0 $0x1BF5;
	p2 =	por !p2, p0  }
0x20: {  	[sflag:s8] =	ssyncset.s32 @!p0 $0xFFFFF086;
	s6 =	sadd.s32 @!p0 s3, s7;
	s7 =	simm.s32 @!p0 $0x108  }
0x21: {  	s3 =	sadd.s32 s3, s9;
	s6 =	sadd.s32 @!p0 $0x88, s6;
	s7 =	simm.s32 @p2 $0x1082  }
0x22: {  	[simem:s7], [sflag:s8] =	dma.local @!p0 [hbm:s6], $0xF7A  }
0x23: {  	s9 =	sor.u32 $0xD0000000, s2;
	s6 =	simm.s32 $0x108;
	_ =	swait.ge @!p0 [sflag:s8], $0x0  }
0x24: {  	s3 =	sadd.s32 $0x88, s3;
	s6 =	simm.s32 @!p1 $0x1082;
	[sflag:s4] =	ssyncset.s32 $0xFFFFF086  }
0x25: {  	[simem:s6], [sflag:s4] =	dma.local [hbm:s3], $0xF7A  }
0x26: {  	[smem:$0x3F9C] =	sst s1;
	(tag) =	ssettag s2;
	_ =	strace s9  }
0x27: {  	s1 =	sld [smem:$0x3FAC]  }
0x28: {  	s2 =	sld [smem:$0x3FAD]  }
0x29: {  	s4 =	sld [smem:$0x3FAF]  }
0x2a: {  	p0 =	seq.s32 s5, $0x0;
	s5 =	sld [smem:$0x3FB0]  }
0x2b: {  	s6 =	sld [smem:$0x3FB1]  }
0x2c: {  	s7 =	sld [smem:$0x3FB2]  }
0x2d: {  	s3 =	simm.s32 $0x108;
	s8 =	sld [smem:$0x3FB3]  }
0x2e: {  	s3 =	simm.s32 @!p0 $0x1082;
	s9 =	sld [smem:$0x3FB4]  }
0x2f: {  	lr =	sadd.s32 s0, s3;
	s0 =	sld [smem:$0x3FAB]  }
0x30: {  	s3 =	sld [smem:$0x3FAE]  }
0x31: {  	[smem:$0x3FB7] =	sst s10  }
0x32: {  	s10 =	sld [smem:$0x3FB5];
	_ =	sdelay $0x3  }
0x33: {  	p0 =	seq.s32 s10, $0x1;
	s10 =	sld [smem:$0x3FB7];
	_ =	sdelay $0x3  }
0x34: {  	[smem:$0x3FB7] =	sst s10  }
0x35: {  	s10 =	sld [smem:$0x3FB6];
	_ =	sdelay $0x3  }
0x36: {  	p1 =	seq.s32 s10, $0x1;
	s10 =	sld [smem:$0x3FB7];
	_ =	sdelay $0x3  }
0x37: {  	[smem:$0x3FB7] =	sst s10  }
0x38: {  	s10 =	sld [smem:$0x3FB8]  }
0x39: {  	_ = 	snop;
	(pc) =	sbr.ind lr, $3  }
0x3a: {  	_ = 	snop  }
0x3b: {  	_ = 	snop  }
0x3c: {  	p2 =	seq.s32 s10, $0x1;
	s10 =	sld [smem:$0x3FB7]  }
0x3d: {  	_ =	shalt  }
0x3e: {  	_ =	shalt  }
0x3f: {  	_ =	shalt  }
0x40: {  	_ =	shalt  }
0x41: {  	_ =	shalt  }
0x42: {  	_ =	shalt  }
0x43: {  	_ =	shalt  }
0x44: {  	_ =	shalt  }
0x45: {  	_ =	shalt  }
0x46: {  	_ =	shalt  }
0x47: {  	_ =	shalt  }
0x48: {  	_ =	shalt  }
0x49: {  	_ =	shalt  }
0x4a: {  	_ =	shalt  }
0x4b: {  	_ =	shalt  }
0x4c: {  	_ =	shalt  }
0x4d: {  	_ =	shalt  }
0x4e: {  	_ =	shalt  }
0x4f: {  	_ =	shalt  }
0x50: {  	_ =	shalt  }
0x51: {  	_ =	shalt  }
0x52: {  	_ =	shalt  }
0x53: {  	_ =	shalt  }
0x54: {  	_ =	shalt  }
0x55: {  	_ =	shalt  }
0x56: {  	_ =	shalt  }
0x57: {  	_ =	shalt  }
0x58: {  	_ =	shalt  }
0x59: {  	_ =	shalt  }
0x5a: {  	_ =	shalt  }
0x5b: {  	_ =	shalt  }
0x5c: {  	_ =	shalt  }
0x5d: {  	_ =	shalt  }
0x5e: {  	_ =	shalt  }
0x5f: {  	_ =	shalt  }
0x60: {  	_ =	shalt  }
0x61: {  	_ =	shalt  }
0x62: {  	_ =	shalt  }
0x63: {  	_ =	shalt  }
0x64: {  	_ =	shalt  }
0x65: {  	_ =	shalt  }
0x66: {  	_ =	shalt  }
0x67: {  	_ =	shalt  }
0x68: {  	_ =	shalt  }
0x69: {  	_ =	shalt  }
0x6a: {  	_ =	shalt  }
0x6b: {  	_ =	shalt  }
0x6c: {  	_ =	shalt  }
0x6d: {  	_ =	shalt  }
0x6e: {  	_ =	shalt  }
0x6f: {  	_ =	shalt  }
0x70: {  	_ =	shalt  }
0x71: {  	_ =	shalt  }
0x72: {  	_ =	shalt  }
0x73: {  	_ =	shalt  }
0x74: {  	_ =	shalt  }
0x75: {  	_ =	shalt  }
0x76: {  	_ =	shalt  }
0x77: {  	_ =	shalt  }
0x78: {  	_ =	shalt  }
0x79: {  	_ =	shalt  }
0x7a: {  	_ =	shalt  }
0x7b: {  	_ =	shalt  }
0x7c: {  	_ =	shalt  }
0x7d: {  	_ =	shalt  }
0x7e: {  	_ =	shalt  }
0x7f: {  	_ =	shalt  }
0x80: {  	_ =	shalt  }
0x81: {  	_ =	shalt  }
0x82: {  	_ =	shalt  }
0x83: {  	_ =	shalt  }
0x84: {  	_ =	shalt  }
0x85: {  	_ =	shalt  }
0x86: {  	_ =	shalt  }
0x87: {  	_ =	shalt  }
.Lfunc_end0:
.L_simem_size_0:
called_computation_lowered:
.L_overlay_start_0:
0x88: {  	s2 =	sld [smem:$0x3FD9]  }
0x89: {  	s3 =	sld [smem:$0x3FFE];
	_ =	sdelay $0x1  }
0x8a: {  	s1 =	srdreg.scid  }
0x8b: {  	s0 =	sand.u32 $0x1, s1  }
0x8c: {  	s17 =	sshll.u32 s0, $0xA;
	s2 =	sadd.s32 s3, s2  }
0x8d: {  	s2 =	sadd.s32 s2, s17  }
0x8e: {  	[smem:$0x3FC3] =	sst s2  }
0x8f: {  	_ = 	snop  }
0x90: {  	s2 =	sld [smem:$0x3FC7]  }
0x91: {  	s18 =	sld [smem:$0x3FD0];
	(tm) =	ssettm $0x1  }
0x92: {  	s4 =	sld [smem:$0x3FFB];
	_ =	sdelay $0x3  }
0x93: {  	_ =	strace s4  }
0x94: {  	s4 =	sld [smem:$0x3FFC];
	_ =	sdelay $0x3  }
0x95: {  	_ =	strace s4  }
0x96: {  	s4 =	sld [smem:$0x3FFD];
	_ =	sdelay $0x3  }
0x97: {  	_ =	strace s4  }
0x98: {  	_ =	strace $0x8FFFFFFF  }
0x99: {  	s19 =	sld [smem:$0x3FDB];
	_ =	sdelay $0x1  }
0x9a: {  	s5 =	simm.s32 $_scs_section_size  }
0x9b: {  	s6 =	simm.s32 $_size__tile_overlayer_lowered;
	s7 =	simm.s32 $_tile_overlayer_lowered  }
0x9c: {  	s22 =	simm.s32 $0x1BFF;
	s21 =	sshll.u32 s7, $0x1;
	s4 =	sadd.s32 s5, s19  }
0x9d: {  	s8 =	simm.s32 $0x0;
	s20 =	sshll.u32 s6, $0x1;
	s6 =	sadd.s32 s21, s4  }
0x9e: {  	[timem:s8], [sflag:s22] =	dma.local [hbm:s6], s20  }
0x9f: {  	_ =	swait.ge [sflag:s22], s20  }
0xa0: {  	s5 =	ssub.s32 $0x0, s20;
	[sflag:s22] =	ssyncset.done $0x0  }
0xa1: {  	[sflag:s22] =	ssyncadd.s32 s5;
	_ =	sdelay $0x1  }
0xa2: {  	s23 =	simm.s32 $0x1B8B  }
0xa3: {  	_ =	swait.ge [sflag:s23], $0x1  }
0xa4: {  	[sflag:s23] =	ssyncset.done $0x0  }
0xa5: {  	s25 =	simm.s32 $0x1B8E;
	s24 =	sld [smem:$0x3FFE];
	[sflag:s23] =	ssyncadd.s32 $0xFFFFFFFF  }
0xa6: {  	s26 =	simm.s32 $execute0_lowered;
	[smem:$0x3FD2] =	sst s25  }
0xa7: {  	s6 =	sshll.u32 s26, $0x1;
	_ =	strace $0x80000046;
	[dreg:$0x1] =	wrdreg $0xFFFFFFFF  }
0xa8: {  	s28 =	simm.s32 $_size_execute0_lowered;
	s4 =	sadd.s32 s4, s6;
	[dreg:$0x0] =	wrdreg $0x0  }
0xa9: {  	s6 =	sshll.u32 s28, $0x1;
	[dreg:$0x2] =	wrdreg s4  }
0xaa: {  	[dreg:$0x3] =	wrdreg s6  }
0xab: {  	[dreg:$0x4] =	wrdreg $0xC0  }
0xac: {  	_ =	task [dreg:s8], $0x5FFFF  }
0xad: {  	[dreg:$0x1] =	wrdreg $0xFFFFFFFF  }
0xae: {  	[dreg:$0x0] =	wrdreg $0x60  }
0xaf: {  	[dreg:$0x2] =	wrdreg s2  }
0xb0: {  	[dreg:$0x3] =	wrdreg s24  }
0xb1: {  	[dreg:$0x4] =	wrdreg s18  }
0xb2: {  	[dreg:$0x5] =	wrdreg $0x9  }
0xb3: {  	_ =	task.clear_ibuf [dreg:s8], $0x6FFFF;
	_ =	strace $0x90000046  }
0xb4: {  	s29 =	simm.s32 $0x9;
	_ =	strace $0x80000048  }
0xb5: {  	_ =	swait.ge [sflag:s29], $0x1  }
0xb6: {  	[sflag:s29] =	ssyncadd.s32 $0xFFFFFFFF  }
0xb7: {  	_ =	strace $0x90000048  }
0xb8: {  	_ =	sfence  }
0xb9: {  	s30 =	sld [smem:$0x0];
	_ =	sdelay $0x2  }
0xba: {  	s31 =	sshll.u32 s1, $0xD;
	s1 =	sshrl.u32 s1, $0x2  }
0xbb: {  	s3 =	sand.u32 $0x4000, s31;
	s1 =	sadd.s32 s1, s30  }
0xbc: {  	s0 =	sor.u32 s3, s0;
	s1 =	sshll.u32 s1, $0x11  }
0xbd: {  	s0 =	sor.u32 s1, s0  }
0xbe: {  	s0 =	sadd.s32 $0x8F2B, s0  }
0xbf: {  	[sflag:s0] =	ssyncadd.remote.s32 $0x1  }
0xc0: {  	_ =	sfence.sel $0xFFFF  }
0xc1: {  	[dreg:$0x0] =	wrdreg $0xFFFFFFFF;
	(pc) =	sbr.abs _section_cstart, $3  }
0xc2: {  	[dreg:$0x1] =	wrdreg $0xFFFFFFFF  }
0xc3: {  	_ =	task.clear_ibuf [dreg:s8], $0x2FFFF;
	_ =	strace $0x9FFFFFFF  }
0xc4: {  	(tm) =	ssettm $0x7FFFFFFF  }
0xc5: {  	_ =	shalt  }
tec
execute0_lowered:
.L_overlay_start_1:
0x0: {  	(tag) =	ssettag $0x1  }
0x1: {  	s1 =	rddreg [dreg:$0x0]  }
0x2: {  	s0 =	rddreg [dreg:$0x1]  }
0x3: {  	s10 =	rddreg [dreg:$0x2];
	s3 =	simm.s32 $0x0  }
0x4: {  	s2 =	srdreg.scid;
	s6 =	stileid.u32;
	s29 =	simm.s32 $0x100  }
0x5: {  	s30 =	simm.s32 $0x300;
	s31 =	simm.s32 $0x1;
	s19 =	simm.s32 $0x180  }
0x6: {  	s11 =	simm.s32 $0xC;
	s12 =	simm.s32 $0xC400;
	s15 =	simm.s32 $0x0  }
0x7: {  	[smem:$0x7FF] =	sst s3;
	s5 =	sadd.s32 $0x800, s0;
	s2 =	sand.u32 $0x1, s2  }
0x8: {  	s7 =	sshll.u32 s6, $0xF;
	s6 =	sadd.s32 $0x12800, s0;
	s8 =	sadd.s32 $0x2800, s0  }
0x9: {  	s25 =	sadd.s32 $0x800, s10;
	_ =	strace $0x80000047;
	s4 =	ssub.s32 $0x2, s2  }
0xa: {  	s2 =	sshll.u32 s2, $0xE;
	[dreg:$0x8] =	wrdreg s25;
	s9 =	sshrl.u32 s4, $0x1  }
0xb: {  	s25 =	simm.s32 $0xA;
	s7 =	sor.u32 s2, s7;
	s20 =	ssub.s32 s4, s9  }
0xc: {  	s2 =	sshrl.u32 s7, $0x3;
	s24 =	sshll.u32 s7, $0x4;
	s26 =	sor.u32 $0x200, s7  }
0xd: {  	s28 =	sor.u32 $0x280, s7;
	s4 =	simm.s32 $0x8400;
	s9 =	simm.s32 $0x380  }
0xe: {  	s21 =	sadd.s32 s6, s2;
	s22 =	sadd.s32 s8, s2;
	[dreg:$0x9] =	wrdreg s26  }
0xf: {  	s2 =	sor.u32 $0x10, s2;
	s17 =	smov.u32 s24;
	[dreg:$0xa] =	wrdreg s28  }
0x10: {  	s16 =	sadd.s32 s10, s24;
	s0 =	smax.u32 s20, $0x1;
	[dreg:$0x4] =	wrdreg s21  }
0x11: {  	s20 =	simm.s32 $0x80;
	s26 =	simm.s32 $0x4400;
	[dreg:$0x5] =	wrdreg s22  }
0x12: {  	s10 =	simm.s32 $0x2;
	s23 =	sadd.s32 s6, s2;
	[dreg:$0xb] =	wrdreg s0  }
0x13: {  	s2 =	sadd.s32 s8, s2;
	s0 =	simm.s32 $0xB;
	[dreg:$0x6] =	wrdreg s23  }
0x14: {  	s22 =	simm.s32 $0x3;
	[dreg:$0x7] =	wrdreg s2;
	s2 =	simm.s32 $0x4  }
.LBB2_1:
0x15: {  	[dreg:$0xc] =	wrdreg s15  }
0x16: {  	s13 =	rddreg [dreg:$0x4]  }
0x17: {  	[tilespmem:s3], [sflag:$0x9] =	stream.linear.gather [hbm4b:s13+s3], $0x80, $0x38;
	[tilespmem:$0x18400] =	vst v63  }
0x18: {  	s23 =	rddreg [dreg:$0x5];
	s14 =	simm.s32 $0x200  }
0x19: {  	[tilespmem:s14], [sflag:$0x9] =	stream.linear.gather [hbm4b:s23+s3], $0x80, $0x38;
	[tilespmem:$0x18400] =	vst v63  }
0x1a: {  	s24 =	rddreg [dreg:$0x6]  }
0x1b: {  	[tilespmem:s20], [sflag:$0xA] =	stream.linear.gather [hbm4b:s24+s3], $0x80, $0x38;
	[tilespmem:$0x18400] =	vst v63  }
0x1c: {  	s15 =	rddreg [dreg:$0x7];
	s18 =	simm.s32 $0x280;
	s21 =	simm.s32 $0x9  }
0x1d: {  	[tilespmem:s18], [sflag:$0xA] =	stream.linear.gather [hbm4b:s15+s3], $0x80, $0x38;
	[tilespmem:$0x18400] =	vst v63  }
0x1e: {  	_ =	swait.ge [sflag:s21], $0x80  }
0x1f: {  	[sflag:s21] =	ssyncset.done $0x0  }
0x20: {  	[sflag:s21] =	ssyncadd.s32 $0xFFFFFF80  }
0x21: {  	_ =	swait.ge [sflag:s21], $0x80  }
0x22: {  	[sflag:s21] =	ssyncset.done $0x0  }
0x23: {  	s23 =	simm.s32 $0x400;
	[sflag:s21] =	ssyncadd.s32 $0xFFFFFF80  }
0x24: {  	[tilespmem:s23], [sflag:$0x1] =	stream.indirect.gather [hbm4b:s1+s20], $0x80, s3, s20, $0xb8;
	[tilespmem:$0x18400] =	vst v63  }
0x25: {  	s28 =	simm.s32 $0x0;
	s24 =	simm.s32 $0x10400  }
0x26: {  	[tilespmem:s24], [sflag:$0x1] =	stream.indirect.gather [hbm4b:s5+s20], $0x40, s14, s20, $0xb8;
	[tilespmem:$0x18400] =	vst v63  }
.LBB2_2:
0x27: {  	p0 =	seq.s32 s28, $0x0  }
0x28: {  	s13 =	simm.s32 @!p0 $0x6  }
0x29: {  	_ =	swait.ge @!p0 [sflag:s13], $0x4000  }
0x2a: {  	[sflag:s13] =	ssyncset.done @!p0 $0x0  }
0x2b: {  	[sflag:s13] =	ssyncadd.s32 @!p0 $0xFFFFC000  }
0x2c: {  	_ =	swait.ge [sflag:s25], $0x80  }
0x2d: {  	[sflag:s25] =	ssyncset.done $0x0  }
0x2e: {  	s21 =	sshll.u32 s28, $0x2;
	[sflag:s25] =	ssyncadd.s32 $0xFFFFFF80  }
0x2f: {  	s18 =	sor.u32 $0x2, s21;
	_ =	swait.ge [sflag:s25], $0x80  }
0x30: {  	s15 =	sshll.u32 s18, $0x7;
	[sflag:s25] =	ssyncset.done $0x0  }
0x31: {  	s13 =	sadd.s32 s7, s15;
	[sflag:s25] =	ssyncadd.s32 $0xFFFFFF80  }
0x32: {  	[tilespmem:s26], [sflag:$0x2] =	stream.indirect.gather [hbm4b:s1+s20], $0x80, s20, s20, $0xb8;
	[tilespmem:$0x18400] =	vst v63  }
0x33: {  	s24 =	simm.s32 $0x280;
	s14 =	simm.s32 $0x12400;
	s13 =	sshrl.u32 s13, $0x3  }
0x34: {  	[tilespmem:s14], [sflag:$0x2] =	stream.indirect.gather [hbm4b:s5+s20], $0x40, s24, s20, $0xb8;
	[tilespmem:$0x18400] =	vst v63  }
0x35: {  	s23 =	sadd.s32 s6, s13  }
0x36: {  	[tilespmem:s29], [sflag:$0xB] =	stream.linear.gather [hbm4b:s23+s3], $0x80, $0x38;
	[tilespmem:$0x18400] =	vst v63  }
0x37: {  	s13 =	sadd.s32 s8, s13  }
0x38: {  	[tilespmem:s30], [sflag:$0xB] =	stream.linear.gather [hbm4b:s13+s3], $0x80, $0x38;
	[tilespmem:$0x18400] =	vst v63  }
0x39: {  	_ =	swait.ge [sflag:s31], $0x4000  }
0x3a: {  	[sflag:s31] =	ssyncset.done $0x0  }
0x3b: {  	[sflag:s31] =	ssyncadd.s32 $0xFFFFC000  }
0x3c: {  	_ =	swait.ge [sflag:s31], $0x2000  }
0x3d: {  	[sflag:s31] =	ssyncset.done $0x0  }
0x3e: {  	s24 =	simm.s32 $0x10480;
	[sflag:s31] =	ssyncadd.s32 $0xFFFFE000  }
0x3f: {  	v0 =	vld [tilespmem:s24+$0x40];
	_ =	sdelay $0x3  }
0x40: {  	v1 =	vld [tilespmem:s24+$0xFFFFFF80]  }
0x41: {  	s23 =	simm.s32 $0x5F0;
	v2 =	vld [tilespmem:s24+$0xFFFFFFC0];
	v3 =	vshll.u32 v0, $0x10  }
0x42: {  	v0 =	vand.u32 $0xFFFF0000, v0;
	[tilespmem:s23+$0xFFFFFF90] =	vst.add.f32.msk $0xffff, v3  }
0x43: {  	[tilespmem:s23+$0xFFFFFFD0] =	vst.add.f32.msk $0xffff, v0  }
0x44: {  	v0 =	vld [tilespmem:s24+$0x50]  }
0x45: {  	v4 =	vshll.u32 v1, $0x10;
	v3 =	vld [tilespmem:s24+$0x0]  }
0x46: {  	v1 =	vand.u32 $0xFFFF0000, v1;
	[tilespmem:s23+$0xFFFFFE10] =	vst.add.f32.msk $0xffff, v4  }
0x47: {  	v62 =	vshll.u32 v2, $0x10;
	[tilespmem:s23+$0xFFFFFE50] =	vst.add.f32.msk $0xffff, v1  }
0x48: {  	v1 =	vand.u32 $0xFFFF0000, v2;
	[tilespmem:s23+$0xFFFFFE90] =	vst.add.f32.msk $0xffff, v62  }
0x49: {  	[tilespmem:s23+$0xFFFFFED0] =	vst.add.f32.msk $0xffff, v1;
	v1 =	vshll.u32 v0, $0x10  }
0x4a: {  	v0 =	vand.u32 $0xFFFF0000, v0;
	[tilespmem:s23+$0xFFFFFFA0] =	vst.add.f32.msk $0xffff, v1  }
0x4b: {  	[tilespmem:s23+$0xFFFFFFE0] =	vst.add.f32.msk $0xffff, v0  }
0x4c: {  	v2 =	vand.u32 $0xFFFF0000, v3;
	v1 =	vld [tilespmem:s24+$0x60]  }
0x4d: {  	[tilespmem:s23+$0xFFFFFF50] =	vst.add.f32.msk $0xffff, v2;
	v0 =	vshll.u32 v3, $0x10  }
0x4e: {  	[tilespmem:s23+$0xFFFFFF10] =	vst.add.f32.msk $0xffff, v0  }
0x4f: {  	v0 =	vld [tilespmem:s24+$0xFFFFFF90]  }
0x50: {  	v2 =	vld [tilespmem:s24+$0xFFFFFFD0]  }
0x51: {  	v3 =	vld [tilespmem:s24+$0x10];
	v63 =	vshll.u32 v1, $0x10  }
0x52: {  	v1 =	vand.u32 $0xFFFF0000, v1;
	[tilespmem:s23+$0xFFFFFFB0] =	vst.add.f32.msk $0xffff, v63  }
0x53: {  	[tilespmem:s23+$0xFFFFFFF0] =	vst.add.f32.msk $0xffff, v1  }
0x54: {  	v1 =	vshll.u32 v0, $0x10;
	v4 =	vld [tilespmem:s24+$0x70]  }
0x55: {  	v0 =	vand.u32 $0xFFFF0000, v0;
	[tilespmem:s23+$0xFFFFFE20] =	vst.add.f32.msk $0xffff, v1  }
0x56: {  	v1 =	vshll.u32 v2, $0x10;
	[tilespmem:s23+$0xFFFFFE60] =	vst.add.f32.msk $0xffff, v0  }
0x57: {  	v0 =	vand.u32 $0xFFFF0000, v2;
	[tilespmem:s23+$0xFFFFFEA0] =	vst.add.f32.msk $0xffff, v1  }
0x58: {  	[tilespmem:s23+$0xFFFFFEE0] =	vst.add.f32.msk $0xffff, v0  }
0x59: {  	v0 =	vshll.u32 v3, $0x10;
	v1 =	vld [tilespmem:s24+$0xFFFFFFA0]  }
0x5a: {  	[tilespmem:s23+$0xFFFFFF20] =	vst.add.f32.msk $0xffff, v0  }
0x5b: {  	v0 =	vand.u32 $0xFFFF0000, v3;
	v2 =	vld [tilespmem:s24+$0xFFFFFFE0]  }
0x5c: {  	[tilespmem:s23+$0xFFFFFF60] =	vst.add.f32.msk $0xffff, v0  }
0x5d: {  	v3 =	vld [tilespmem:s24+$0x20];
	v0 =	vand.u32 $0xFFFF0000, v4  }
0x5e: {  	[tilespmem:s23+$0x0] =	vst.add.f32.msk $0xffff, v0;
	v0 =	vshll.u32 v1, $0x10  }
0x5f: {  	v1 =	vand.u32 $0xFFFF0000, v1;
	[tilespmem:s23+$0xFFFFFE30] =	vst.add.f32.msk $0xffff, v0  }
0x60: {  	v0 =	vshll.u32 v2, $0x10;
	[tilespmem:s23+$0xFFFFFE70] =	vst.add.f32.msk $0xffff, v1  }
0x61: {  	v1 =	vand.u32 $0xFFFF0000, v2;
	[tilespmem:s23+$0xFFFFFEB0] =	vst.add.f32.msk $0xffff, v0  }
0x62: {  	[tilespmem:s23+$0xFFFFFEF0] =	vst.add.f32.msk $0xffff, v1  }
0x63: {  	v2 =	vld [tilespmem:s24+$0xFFFFFFB0];
	v0 =	vshll.u32 v3, $0x10  }
0x64: {  	v1 =	vand.u32 $0xFFFF0000, v3;
	[tilespmem:s23+$0xFFFFFF30] =	vst.add.f32.msk $0xffff, v0  }
0x65: {  	[tilespmem:s23+$0xFFFFFF70] =	vst.add.f32.msk $0xffff, v1  }
0x66: {  	v1 =	vld [tilespmem:s24+$0xFFFFFFF0]  }
0x67: {  	v3 =	vshll.u32 v4, $0x10;
	v0 =	vld [tilespmem:s24+$0x30]  }
0x68: {  	s14 =	simm.s32 $0x0;
	s13 =	simm.s32 $0x10580;
	[tilespmem:s23+$0xFFFFFFC0] =	vst.add.f32.msk $0xffff, v3;
	s24 =	simm.s32 $0x5F0  }
.LBB2_3:
0x69: {  	v3 =	vld [tilespmem:s13+$0x40]  }
0x6a: {  	v4 =	vld [tilespmem:s13+$0xFFFFFFC0];
	v5 =	vshll.u32 v2, $0x10;
	v2 =	vand.u32 $0xFFFF0000, v2  }
0x6b: {  	v6 =	vld [tilespmem:s13+$0x0];
	v7 =	vshll.u32 v1, $0x10;
	v1 =	vand.u32 $0xFFFF0000, v1  }
0x6c: {  	s14 =	sadd.s32 $0x4, s14;
	v8 =	vld [tilespmem:s13+$0xFFFFFF80];
	v9 =	vshll.u32 v0, $0x10;
	v0 =	vand.u32 $0xFFFF0000, v0  }
0x6d: {  	p1 =	slt.u32 s14, $0x7C;
	[tilespmem:s23+$0xFFFFFE40] =	vst.add.f32.msk $0xffff, v5  }
0x6e: {  	s23 =	sadd.s32 $0x200, s23;
	v5 =	vshll.u32 v3, $0x10;
	[tilespmem:s24+$0xFFFFFE80] =	vst.add.f32.msk $0xffff, v2  }
0x6f: {  	v3 =	vand.u32 $0xFFFF0000, v3;
	v2 =	vshll.u32 v4, $0x10;
	v4 =	vand.u32 $0xFFFF0000, v4;
	[tilespmem:s23+$0xFFFFFF90] =	vst.add.f32.msk $0xffff, v5  }
0x70: {  	v5 =	vshll.u32 v6, $0x10;
	v6 =	vand.u32 $0xFFFF0000, v6;
	[tilespmem:s23+$0xFFFFFFD0] =	vst.add.f32.msk $0xffff, v3  }
0x71: {  	v3 =	vshll.u32 v8, $0x10;
	v8 =	vand.u32 $0xFFFF0000, v8;
	v10 =	vld [tilespmem:s13+$0x50]  }
0x72: {  	[tilespmem:s23+$0xFFFFFE10] =	vst.add.f32.msk $0xffff, v3  }
0x73: {  	[tilespmem:s23+$0xFFFFFE50] =	vst.add.f32.msk $0xffff, v8  }
0x74: {  	[tilespmem:s23+$0xFFFFFE90] =	vst.add.f32.msk $0xffff, v2  }
0x75: {  	[tilespmem:s23+$0xFFFFFED0] =	vst.add.f32.msk $0xffff, v4  }
0x76: {  	[tilespmem:s23+$0xFFFFFF10] =	vst.add.f32.msk $0xffff, v5;
	v2 =	vshll.u32 v10, $0x10  }
0x77: {  	v3 =	vand.u32 $0xFFFF0000, v10;
	[tilespmem:s23+$0xFFFFFFA0] =	vst.add.f32.msk $0xffff, v2  }
0x78: {  	[tilespmem:s23+$0xFFFFFFE0] =	vst.add.f32.msk $0xffff, v3  }
0x79: {  	v2 =	vld [tilespmem:s13+$0x60]  }
0x7a: {  	[tilespmem:s23+$0xFFFFFF50] =	vst.add.f32.msk $0xffff, v6  }
0x7b: {  	v3 =	vld [tilespmem:s13+$0xFFFFFF90]  }
0x7c: {  	v4 =	vld [tilespmem:s13+$0xFFFFFFD0]  }
0x7d: {  	v5 =	vld [tilespmem:s13+$0x10]  }
0x7e: {  	v6 =	vshll.u32 v2, $0x10;
	[tilespmem:s24+$0xFFFFFEC0] =	vst.add.f32.msk $0xffff, v7  }
0x7f: {  	v2 =	vand.u32 $0xFFFF0000, v2;
	[tilespmem:s23+$0xFFFFFFB0] =	vst.add.f32.msk $0xffff, v6  }
0x80: {  	v6 =	vshll.u32 v3, $0x10;
	v3 =	vand.u32 $0xFFFF0000, v3;
	[tilespmem:s23+$0xFFFFFFF0] =	vst.add.f32.msk $0xffff, v2  }
0x81: {  	v2 =	vshll.u32 v4, $0x10;
	v4 =	vand.u32 $0xFFFF0000, v4;
	v7 =	vld [tilespmem:s13+$0x70]  }
0x82: {  	[tilespmem:s23+$0xFFFFFE20] =	vst.add.f32.msk $0xffff, v6;
	v6 =	vshll.u32 v5, $0x10;
	v5 =	vand.u32 $0xFFFF0000, v5  }
0x83: {  	[tilespmem:s23+$0xFFFFFE60] =	vst.add.f32.msk $0xffff, v3  }
0x84: {  	[tilespmem:s23+$0xFFFFFEA0] =	vst.add.f32.msk $0xffff, v2  }
0x85: {  	[tilespmem:s23+$0xFFFFFEE0] =	vst.add.f32.msk $0xffff, v4  }
0x86: {  	[tilespmem:s23+$0xFFFFFF20] =	vst.add.f32.msk $0xffff, v6;
	v3 =	vshll.u32 v7, $0x10;
	v2 =	vand.u32 $0xFFFF0000, v7  }
0x87: {  	[tilespmem:s23+$0x0] =	vst.add.f32.msk $0xffff, v2  }
0x88: {  	[tilespmem:s23+$0xFFFFFF60] =	vst.add.f32.msk $0xffff, v5  }
0x89: {  	v2 =	vld [tilespmem:s13+$0xFFFFFFA0]  }
0x8a: {  	v4 =	vld [tilespmem:s13+$0xFFFFFFE0]  }
0x8b: {  	v5 =	vld [tilespmem:s13+$0x20]  }
0x8c: {  	[tilespmem:s24+$0xFFFFFF00] =	vst.add.f32.msk $0xffff, v1  }
0x8d: {  	[tilespmem:s24+$0xFFFFFF40] =	vst.add.f32.msk $0xffff, v9  }
0x8e: {  	v1 =	vshll.u32 v2, $0x10;
	v2 =	vand.u32 $0xFFFF0000, v2;
	[tilespmem:s24+$0xFFFFFF80] =	vst.add.f32.msk $0xffff, v0;
	s24 =	smov.u32 s23  }
0x8f: {  	[tilespmem:s23+$0xFFFFFE30] =	vst.add.f32.msk $0xffff, v1;
	v0 =	vshll.u32 v4, $0x10;
	v1 =	vand.u32 $0xFFFF0000, v4  }
0x90: {  	[tilespmem:s23+$0xFFFFFE70] =	vst.add.f32.msk $0xffff, v2;
	v2 =	vshll.u32 v5, $0x10;
	v4 =	vand.u32 $0xFFFF0000, v5  }
0x91: {  	[tilespmem:s23+$0xFFFFFEB0] =	vst.add.f32.msk $0xffff, v0  }
0x92: {  	[tilespmem:s23+$0xFFFFFEF0] =	vst.add.f32.msk $0xffff, v1  }
0x93: {  	[tilespmem:s23+$0xFFFFFF30] =	vst.add.f32.msk $0xffff, v2  }
.Ltmp0:
0x94: {  	[tilespmem:s23+$0xFFFFFF70] =	vst.add.f32.msk $0xffff, v4;
	(pc) =	sbr.rel @p1 .LBB2_3-.Ltmp0, $4  }
0x95: {  	v2 =	vld [tilespmem:s13+$0xFFFFFFB0]  }
0x96: {  	v1 =	vld [tilespmem:s13+$0xFFFFFFF0]  }
0x97: {  	v0 =	vld [tilespmem:s13+$0x30]  }
0x98: {  	s13 =	sadd.s32 $0x100, s13;
	[tilespmem:s23+$0xFFFFFFC0] =	vst.add.f32.msk $0xffff, v3  }
0x99: {  	_ = 	snop  }
0x9a: {  	v3 =	vshll.u32 v2, $0x10  }
0x9b: {  	v2 =	vand.u32 $0xFFFF0000, v2;
	[tilespmem:s23+$0xFFFFFE40] =	vst.add.f32.msk $0xffff, v3  }
0x9c: {  	v3 =	vshll.u32 v1, $0x10;
	[tilespmem:s24+$0xFFFFFE80] =	vst.add.f32.msk $0xffff, v2  }
0x9d: {  	v1 =	vand.u32 $0xFFFF0000, v1;
	[tilespmem:s24+$0xFFFFFEC0] =	vst.add.f32.msk $0xffff, v3  }
0x9e: {  	v2 =	vshll.u32 v0, $0x10;
	[tilespmem:s24+$0xFFFFFF00] =	vst.add.f32.msk $0xffff, v1  }
0x9f: {  	s13 =	sshll.u32 s28, $0xD;
	v0 =	vand.u32 $0xFFFF0000, v0;
	[tilespmem:s24+$0xFFFFFF40] =	vst.add.f32.msk $0xffff, v2  }
0xa0: {  	s23 =	sadd.s32 s17, s13;
	[tilespmem:s24+$0xFFFFFF80] =	vst.add.f32.msk $0xffff, v0;
	s24 =	rddreg [dreg:$0x2]  }
0xa1: {  	s14 =	simm.s32 $0x400;
	s13 =	sadd.s32 s24, s23  }
0xa2: {  	[hbm4b:s13+s3] =	stream.linear.scatter [tilespmem:s14], [sflag:$0x5], $0x4000, $0x38;
	[tilespmem:$0x18400] =	vst v63  }
0xa3: {  	s13 =	simm.s32 @!p0 $0x7  }
0xa4: {  	_ =	swait.ge @!p0 [sflag:s13], $0x4000  }
0xa5: {  	[sflag:s13] =	ssyncset.done @!p0 $0x0  }
0xa6: {  	[sflag:s13] =	ssyncadd.s32 @!p0 $0xFFFFC000  }
0xa7: {  	_ =	swait.ge [sflag:s0], $0x80  }
0xa8: {  	[sflag:s0] =	ssyncset.done $0x0  }
0xa9: {  	[sflag:s0] =	ssyncadd.s32 $0xFFFFFF80  }
0xaa: {  	s24 =	sor.u32 $0x3, s21;
	_ =	swait.ge [sflag:s0], $0x80  }
0xab: {  	s15 =	sshll.u32 s24, $0x7;
	[sflag:s0] =	ssyncset.done $0x0  }
0xac: {  	s13 =	sadd.s32 s7, s15;
	[sflag:s0] =	ssyncadd.s32 $0xFFFFFF80  }
0xad: {  	[tilespmem:s4], [sflag:$0x3] =	stream.indirect.gather [hbm4b:s1+s20], $0x80, s29, s20, $0xb8;
	[tilespmem:$0x18400] =	vst v63  }
0xae: {  	s14 =	simm.s32 $0x14400;
	s13 =	sshrl.u32 s13, $0x3  }
0xaf: {  	[tilespmem:s14], [sflag:$0x3] =	stream.indirect.gather [hbm4b:s5+s20], $0x40, s30, s20, $0xb8;
	[tilespmem:$0x18400] =	vst v63  }
0xb0: {  	s21 =	sadd.s32 s6, s13  }
0xb1: {  	[tilespmem:s19], [sflag:$0xC] =	stream.linear.gather [hbm4b:s21+s3], $0x80, $0x38;
	[tilespmem:$0x18400] =	vst v63  }
0xb2: {  	s13 =	sadd.s32 s8, s13  }
0xb3: {  	[tilespmem:s9], [sflag:$0xC] =	stream.linear.gather [hbm4b:s13+s3], $0x80, $0x38;
	[tilespmem:$0x18400] =	vst v63  }
0xb4: {  	_ =	swait.ge [sflag:s10], $0x4000  }
0xb5: {  	[sflag:s10] =	ssyncset.done $0x0  }
0xb6: {  	[sflag:s10] =	ssyncadd.s32 $0xFFFFC000  }
0xb7: {  	_ =	swait.ge [sflag:s10], $0x2000  }
0xb8: {  	[sflag:s10] =	ssyncset.done $0x0  }
0xb9: {  	s15 =	simm.s32 $0x12480;
	[sflag:s10] =	ssyncadd.s32 $0xFFFFE000  }
0xba: {  	v0 =	vld [tilespmem:s15+$0x40];
	_ =	sdelay $0x3  }
0xbb: {  	v1 =	vld [tilespmem:s15+$0xFFFFFF80]  }
0xbc: {  	s21 =	simm.s32 $0x45F0;
	v2 =	vld [tilespmem:s15+$0xFFFFFFC0];
	v3 =	vshll.u32 v0, $0x10  }
0xbd: {  	v0 =	vand.u32 $0xFFFF0000, v0;
	[tilespmem:s21+$0xFFFFFF90] =	vst.add.f32.msk $0xffff, v3  }
0xbe: {  	[tilespmem:s21+$0xFFFFFFD0] =	vst.add.f32.msk $0xffff, v0  }
0xbf: {  	v0 =	vld [tilespmem:s15+$0x50]  }
0xc0: {  	v4 =	vshll.u32 v1, $0x10;
	v3 =	vld [tilespmem:s15+$0x0]  }
0xc1: {  	v1 =	vand.u32 $0xFFFF0000, v1;
	[tilespmem:s21+$0xFFFFFE10] =	vst.add.f32.msk $0xffff, v4  }
0xc2: {  	v62 =	vshll.u32 v2, $0x10;
	[tilespmem:s21+$0xFFFFFE50] =	vst.add.f32.msk $0xffff, v1  }
0xc3: {  	v1 =	vand.u32 $0xFFFF0000, v2;
	[tilespmem:s21+$0xFFFFFE90] =	vst.add.f32.msk $0xffff, v62  }
0xc4: {  	[tilespmem:s21+$0xFFFFFED0] =	vst.add.f32.msk $0xffff, v1;
	v1 =	vshll.u32 v0, $0x10  }
0xc5: {  	v0 =	vand.u32 $0xFFFF0000, v0;
	[tilespmem:s21+$0xFFFFFFA0] =	vst.add.f32.msk $0xffff, v1  }
0xc6: {  	[tilespmem:s21+$0xFFFFFFE0] =	vst.add.f32.msk $0xffff, v0  }
0xc7: {  	v2 =	vand.u32 $0xFFFF0000, v3;
	v1 =	vld [tilespmem:s15+$0x60]  }
0xc8: {  	[tilespmem:s21+$0xFFFFFF50] =	vst.add.f32.msk $0xffff, v2;
	v0 =	vshll.u32 v3, $0x10  }
0xc9: {  	[tilespmem:s21+$0xFFFFFF10] =	vst.add.f32.msk $0xffff, v0  }
0xca: {  	v0 =	vld [tilespmem:s15+$0xFFFFFF90]  }
0xcb: {  	v2 =	vld [tilespmem:s15+$0xFFFFFFD0]  }
0xcc: {  	v3 =	vld [tilespmem:s15+$0x10];
	v63 =	vshll.u32 v1, $0x10  }
0xcd: {  	v1 =	vand.u32 $0xFFFF0000, v1;
	[tilespmem:s21+$0xFFFFFFB0] =	vst.add.f32.msk $0xffff, v63  }
0xce: {  	[tilespmem:s21+$0xFFFFFFF0] =	vst.add.f32.msk $0xffff, v1  }
0xcf: {  	v1 =	vshll.u32 v0, $0x10;
	v4 =	vld [tilespmem:s15+$0x70]  }
0xd0: {  	v0 =	vand.u32 $0xFFFF0000, v0;
	[tilespmem:s21+$0xFFFFFE20] =	vst.add.f32.msk $0xffff, v1  }
0xd1: {  	v1 =	vshll.u32 v2, $0x10;
	[tilespmem:s21+$0xFFFFFE60] =	vst.add.f32.msk $0xffff, v0  }
0xd2: {  	v0 =	vand.u32 $0xFFFF0000, v2;
	[tilespmem:s21+$0xFFFFFEA0] =	vst.add.f32.msk $0xffff, v1  }
0xd3: {  	[tilespmem:s21+$0xFFFFFEE0] =	vst.add.f32.msk $0xffff, v0  }
0xd4: {  	v0 =	vshll.u32 v3, $0x10;
	v1 =	vld [tilespmem:s15+$0xFFFFFFA0]  }
0xd5: {  	[tilespmem:s21+$0xFFFFFF20] =	vst.add.f32.msk $0xffff, v0  }
0xd6: {  	v0 =	vand.u32 $0xFFFF0000, v3;
	v2 =	vld [tilespmem:s15+$0xFFFFFFE0]  }
0xd7: {  	[tilespmem:s21+$0xFFFFFF60] =	vst.add.f32.msk $0xffff, v0  }
0xd8: {  	v3 =	vld [tilespmem:s15+$0x20];
	v0 =	vand.u32 $0xFFFF0000, v4  }
0xd9: {  	[tilespmem:s21+$0x0] =	vst.add.f32.msk $0xffff, v0;
	v0 =	vshll.u32 v1, $0x10  }
0xda: {  	v1 =	vand.u32 $0xFFFF0000, v1;
	[tilespmem:s21+$0xFFFFFE30] =	vst.add.f32.msk $0xffff, v0  }
0xdb: {  	v0 =	vshll.u32 v2, $0x10;
	[tilespmem:s21+$0xFFFFFE70] =	vst.add.f32.msk $0xffff, v1  }
0xdc: {  	v1 =	vand.u32 $0xFFFF0000, v2;
	[tilespmem:s21+$0xFFFFFEB0] =	vst.add.f32.msk $0xffff, v0  }
0xdd: {  	[tilespmem:s21+$0xFFFFFEF0] =	vst.add.f32.msk $0xffff, v1  }
0xde: {  	v2 =	vld [tilespmem:s15+$0xFFFFFFB0];
	v0 =	vshll.u32 v3, $0x10  }
0xdf: {  	v1 =	vand.u32 $0xFFFF0000, v3;
	[tilespmem:s21+$0xFFFFFF30] =	vst.add.f32.msk $0xffff, v0  }
0xe0: {  	[tilespmem:s21+$0xFFFFFF70] =	vst.add.f32.msk $0xffff, v1  }
0xe1: {  	v1 =	vld [tilespmem:s15+$0xFFFFFFF0]  }
0xe2: {  	v3 =	vshll.u32 v4, $0x10;
	v0 =	vld [tilespmem:s15+$0x30]  }
0xe3: {  	s14 =	simm.s32 $0x45F0;
	s13 =	simm.s32 $0x0;
	[tilespmem:s21+$0xFFFFFFC0] =	vst.add.f32.msk $0xffff, v3;
	s15 =	simm.s32 $0x12580  }
.LBB2_5:
0xe4: {  	v3 =	vld [tilespmem:s15+$0x40]  }
0xe5: {  	v4 =	vld [tilespmem:s15+$0xFFFFFFC0];
	v5 =	vshll.u32 v2, $0x10;
	v2 =	vand.u32 $0xFFFF0000, v2  }
0xe6: {  	v6 =	vld [tilespmem:s15+$0x0];
	v7 =	vshll.u32 v1, $0x10;
	v1 =	vand.u32 $0xFFFF0000, v1  }
0xe7: {  	s13 =	sadd.s32 $0x4, s13;
	v8 =	vld [tilespmem:s15+$0xFFFFFF80];
	v9 =	vshll.u32 v0, $0x10;
	v0 =	vand.u32 $0xFFFF0000, v0  }
0xe8: {  	p1 =	slt.u32 s13, $0x7C;
	[tilespmem:s21+$0xFFFFFE40] =	vst.add.f32.msk $0xffff, v5  }
0xe9: {  	s21 =	sadd.s32 $0x200, s21;
	v5 =	vshll.u32 v3, $0x10;
	[tilespmem:s14+$0xFFFFFE80] =	vst.add.f32.msk $0xffff, v2  }
0xea: {  	v3 =	vand.u32 $0xFFFF0000, v3;
	v2 =	vshll.u32 v4, $0x10;
	v4 =	vand.u32 $0xFFFF0000, v4;
	[tilespmem:s21+$0xFFFFFF90] =	vst.add.f32.msk $0xffff, v5  }
0xeb: {  	v5 =	vshll.u32 v6, $0x10;
	v6 =	vand.u32 $0xFFFF0000, v6;
	[tilespmem:s21+$0xFFFFFFD0] =	vst.add.f32.msk $0xffff, v3  }
0xec: {  	v3 =	vshll.u32 v8, $0x10;
	v8 =	vand.u32 $0xFFFF0000, v8;
	v10 =	vld [tilespmem:s15+$0x50]  }
0xed: {  	[tilespmem:s21+$0xFFFFFE10] =	vst.add.f32.msk $0xffff, v3  }
0xee: {  	[tilespmem:s21+$0xFFFFFE50] =	vst.add.f32.msk $0xffff, v8  }
0xef: {  	[tilespmem:s21+$0xFFFFFE90] =	vst.add.f32.msk $0xffff, v2  }
0xf0: {  	[tilespmem:s21+$0xFFFFFED0] =	vst.add.f32.msk $0xffff, v4  }
0xf1: {  	[tilespmem:s21+$0xFFFFFF10] =	vst.add.f32.msk $0xffff, v5;
	v2 =	vshll.u32 v10, $0x10  }
0xf2: {  	v3 =	vand.u32 $0xFFFF0000, v10;
	[tilespmem:s21+$0xFFFFFFA0] =	vst.add.f32.msk $0xffff, v2  }
0xf3: {  	[tilespmem:s21+$0xFFFFFFE0] =	vst.add.f32.msk $0xffff, v3  }
0xf4: {  	v2 =	vld [tilespmem:s15+$0x60]  }
0xf5: {  	[tilespmem:s21+$0xFFFFFF50] =	vst.add.f32.msk $0xffff, v6  }
0xf6: {  	v3 =	vld [tilespmem:s15+$0xFFFFFF90]  }
0xf7: {  	v4 =	vld [tilespmem:s15+$0xFFFFFFD0]  }
0xf8: {  	v5 =	vld [tilespmem:s15+$0x10]  }
0xf9: {  	v6 =	vshll.u32 v2, $0x10;
	[tilespmem:s14+$0xFFFFFEC0] =	vst.add.f32.msk $0xffff, v7  }
0xfa: {  	v2 =	vand.u32 $0xFFFF0000, v2;
	[tilespmem:s21+$0xFFFFFFB0] =	vst.add.f32.msk $0xffff, v6  }
0xfb: {  	v6 =	vshll.u32 v3, $0x10;
	v3 =	vand.u32 $0xFFFF0000, v3;
	[tilespmem:s21+$0xFFFFFFF0] =	vst.add.f32.msk $0xffff, v2  }
0xfc: {  	v2 =	vshll.u32 v4, $0x10;
	v4 =	vand.u32 $0xFFFF0000, v4;
	v7 =	vld [tilespmem:s15+$0x70]  }
0xfd: {  	[tilespmem:s21+$0xFFFFFE20] =	vst.add.f32.msk $0xffff, v6;
	v6 =	vshll.u32 v5, $0x10;
	v5 =	vand.u32 $0xFFFF0000, v5  }
0xfe: {  	[tilespmem:s21+$0xFFFFFE60] =	vst.add.f32.msk $0xffff, v3  }
0xff: {  	[tilespmem:s21+$0xFFFFFEA0] =	vst.add.f32.msk $0xffff, v2  }
0x100: {  	[tilespmem:s21+$0xFFFFFEE0] =	vst.add.f32.msk $0xffff, v4  }
0x101: {  	[tilespmem:s21+$0xFFFFFF20] =	vst.add.f32.msk $0xffff, v6;
	v3 =	vshll.u32 v7, $0x10;
	v2 =	vand.u32 $0xFFFF0000, v7  }
0x102: {  	[tilespmem:s21+$0x0] =	vst.add.f32.msk $0xffff, v2  }
0x103: {  	[tilespmem:s21+$0xFFFFFF60] =	vst.add.f32.msk $0xffff, v5  }
0x104: {  	v2 =	vld [tilespmem:s15+$0xFFFFFFA0]  }
0x105: {  	v4 =	vld [tilespmem:s15+$0xFFFFFFE0]  }
0x106: {  	v5 =	vld [tilespmem:s15+$0x20]  }
0x107: {  	[tilespmem:s14+$0xFFFFFF00] =	vst.add.f32.msk $0xffff, v1  }
0x108: {  	[tilespmem:s14+$0xFFFFFF40] =	vst.add.f32.msk $0xffff, v9  }
0x109: {  	v1 =	vshll.u32 v2, $0x10;
	v2 =	vand.u32 $0xFFFF0000, v2;
	[tilespmem:s14+$0xFFFFFF80] =	vst.add.f32.msk $0xffff, v0;
	s14 =	smov.u32 s21  }
0x10a: {  	[tilespmem:s21+$0xFFFFFE30] =	vst.add.f32.msk $0xffff, v1;
	v0 =	vshll.u32 v4, $0x10;
	v1 =	vand.u32 $0xFFFF0000, v4  }
0x10b: {  	[tilespmem:s21+$0xFFFFFE70] =	vst.add.f32.msk $0xffff, v2;
	v2 =	vshll.u32 v5, $0x10;
	v4 =	vand.u32 $0xFFFF0000, v5  }
0x10c: {  	[tilespmem:s21+$0xFFFFFEB0] =	vst.add.f32.msk $0xffff, v0  }
0x10d: {  	[tilespmem:s21+$0xFFFFFEF0] =	vst.add.f32.msk $0xffff, v1  }
0x10e: {  	[tilespmem:s21+$0xFFFFFF30] =	vst.add.f32.msk $0xffff, v2  }
.Ltmp1:
0x10f: {  	[tilespmem:s21+$0xFFFFFF70] =	vst.add.f32.msk $0xffff, v4;
	(pc) =	sbr.rel @p1 .LBB2_5-.Ltmp1, $4  }
0x110: {  	v2 =	vld [tilespmem:s15+$0xFFFFFFB0]  }
0x111: {  	v1 =	vld [tilespmem:s15+$0xFFFFFFF0]  }
0x112: {  	v0 =	vld [tilespmem:s15+$0x30]  }
0x113: {  	s15 =	sadd.s32 $0x100, s15;
	[tilespmem:s21+$0xFFFFFFC0] =	vst.add.f32.msk $0xffff, v3  }
0x114: {  	_ = 	snop  }
0x115: {  	v3 =	vshll.u32 v2, $0x10  }
0x116: {  	v2 =	vand.u32 $0xFFFF0000, v2;
	[tilespmem:s21+$0xFFFFFE40] =	vst.add.f32.msk $0xffff, v3  }
0x117: {  	v3 =	vshll.u32 v1, $0x10;
	[tilespmem:s14+$0xFFFFFE80] =	vst.add.f32.msk $0xffff, v2  }
0x118: {  	v1 =	vand.u32 $0xFFFF0000, v1;
	[tilespmem:s14+$0xFFFFFEC0] =	vst.add.f32.msk $0xffff, v3  }
0x119: {  	v2 =	vshll.u32 v0, $0x10;
	[tilespmem:s14+$0xFFFFFF00] =	vst.add.f32.msk $0xffff, v1  }
0x11a: {  	v0 =	vand.u32 $0xFFFF0000, v0;
	[tilespmem:s14+$0xFFFFFF40] =	vst.add.f32.msk $0xffff, v2  }
0x11b: {  	[tilespmem:s14+$0xFFFFFF80] =	vst.add.f32.msk $0xffff, v0  }
0x11c: {  	s13 =	rddreg [dreg:$0x8]  }
0x11d: {  	s13 =	sadd.s32 s23, s13  }
0x11e: {  	[hbm4b:s13+s3] =	stream.linear.scatter [tilespmem:s26], [sflag:$0x6], $0x4000, $0x38;
	[tilespmem:$0x18400] =	vst v63  }
0x11f: {  	s13 =	simm.s32 @!p0 $0x8  }
0x120: {  	_ =	swait.ge @!p0 [sflag:s13], $0x4000  }
0x121: {  	[sflag:s13] =	ssyncset.done @!p0 $0x0  }
0x122: {  	[sflag:s13] =	ssyncadd.s32 @!p0 $0xFFFFC000  }
0x123: {  	_ =	swait.ge [sflag:s11], $0x80  }
0x124: {  	[sflag:s11] =	ssyncset.done $0x0  }
0x125: {  	[sflag:s11] =	ssyncadd.s32 $0xFFFFFF80  }
0x126: {  	p0 =	seq.s32 s28, $0x1F;
	_ =	swait.ge [sflag:s11], $0x80  }
0x127: {  	s21 =	sshll.u32 @!p0 s28, $0x9;
	[sflag:s11] =	ssyncset.done $0x0;
	s13 =	rddreg [dreg:$0x9]  }
0x128: {  	[sflag:s11] =	ssyncadd.s32 $0xFFFFFF80;
	s13 =	sadd.s32 @!p0 s21, s13  }
0x129: {  	[tilespmem:s12], [sflag:$0x4] =	stream.indirect.gather [hbm4b:s1+s20], $0x80, s19, s20, $0xb8;
	[tilespmem:$0x18400] =	vst v63  }
0x12a: {  	s14 =	simm.s32 $0x16400;
	s13 =	sshrl.u32 @!p0 s13, $0x3  }
0x12b: {  	[tilespmem:s14], [sflag:$0x4] =	stream.indirect.gather [hbm4b:s5+s20], $0x40, s9, s20, $0xb8;
	[tilespmem:$0x18400] =	vst v63  }
0x12c: {  	s15 =	simm.s32 @!p0 $0x0;
	s14 =	sadd.s32 @!p0 s6, s13  }
0x12d: {  	[tilespmem:s15], [sflag:$0x9] =	stream.linear.gather @!p0 [hbm4b:s14+s15], $0x80, $0x38;
	[tilespmem:$0x18400] =	vst v63  }
0x12e: {  	s13 =	sadd.s32 @!p0 s8, s13;
	s14 =	simm.s32 @!p0 $0x200  }
0x12f: {  	[tilespmem:s14], [sflag:$0x9] =	stream.linear.gather @!p0 [hbm4b:s13+s15], $0x80, $0x38;
	[tilespmem:$0x18400] =	vst v63  }
0x130: {  	_ =	swait.ge [sflag:s22], $0x4000  }
0x131: {  	[sflag:s22] =	ssyncset.done $0x0  }
0x132: {  	[sflag:s22] =	ssyncadd.s32 $0xFFFFC000  }
0x133: {  	_ =	swait.ge [sflag:s22], $0x2000  }
0x134: {  	[sflag:s22] =	ssyncset.done $0x0  }
0x135: {  	s15 =	simm.s32 $0x14480;
	[sflag:s22] =	ssyncadd.s32 $0xFFFFE000  }
0x136: {  	v0 =	vld [tilespmem:s15+$0x40];
	_ =	sdelay $0x3  }
0x137: {  	v1 =	vld [tilespmem:s15+$0xFFFFFF80]  }
0x138: {  	s23 =	simm.s32 $0x85F0;
	v2 =	vld [tilespmem:s15+$0xFFFFFFC0];
	v3 =	vshll.u32 v0, $0x10  }
0x139: {  	v0 =	vand.u32 $0xFFFF0000, v0;
	[tilespmem:s23+$0xFFFFFF90] =	vst.add.f32.msk $0xffff, v3  }
0x13a: {  	[tilespmem:s23+$0xFFFFFFD0] =	vst.add.f32.msk $0xffff, v0  }
0x13b: {  	v0 =	vld [tilespmem:s15+$0x50]  }
0x13c: {  	v4 =	vshll.u32 v1, $0x10;
	v3 =	vld [tilespmem:s15+$0x0]  }
0x13d: {  	v1 =	vand.u32 $0xFFFF0000, v1;
	[tilespmem:s23+$0xFFFFFE10] =	vst.add.f32.msk $0xffff, v4  }
0x13e: {  	v62 =	vshll.u32 v2, $0x10;
	[tilespmem:s23+$0xFFFFFE50] =	vst.add.f32.msk $0xffff, v1  }
0x13f: {  	v1 =	vand.u32 $0xFFFF0000, v2;
	[tilespmem:s23+$0xFFFFFE90] =	vst.add.f32.msk $0xffff, v62  }
0x140: {  	[tilespmem:s23+$0xFFFFFED0] =	vst.add.f32.msk $0xffff, v1;
	v1 =	vshll.u32 v0, $0x10  }
0x141: {  	v0 =	vand.u32 $0xFFFF0000, v0;
	[tilespmem:s23+$0xFFFFFFA0] =	vst.add.f32.msk $0xffff, v1  }
0x142: {  	[tilespmem:s23+$0xFFFFFFE0] =	vst.add.f32.msk $0xffff, v0  }
0x143: {  	v2 =	vand.u32 $0xFFFF0000, v3;
	v1 =	vld [tilespmem:s15+$0x60]  }
0x144: {  	[tilespmem:s23+$0xFFFFFF50] =	vst.add.f32.msk $0xffff, v2;
	v0 =	vshll.u32 v3, $0x10  }
0x145: {  	[tilespmem:s23+$0xFFFFFF10] =	vst.add.f32.msk $0xffff, v0  }
0x146: {  	v0 =	vld [tilespmem:s15+$0xFFFFFF90]  }
0x147: {  	v2 =	vld [tilespmem:s15+$0xFFFFFFD0]  }
0x148: {  	v3 =	vld [tilespmem:s15+$0x10];
	v63 =	vshll.u32 v1, $0x10  }
0x149: {  	v1 =	vand.u32 $0xFFFF0000, v1;
	[tilespmem:s23+$0xFFFFFFB0] =	vst.add.f32.msk $0xffff, v63  }
0x14a: {  	[tilespmem:s23+$0xFFFFFFF0] =	vst.add.f32.msk $0xffff, v1  }
0x14b: {  	v1 =	vshll.u32 v0, $0x10;
	v4 =	vld [tilespmem:s15+$0x70]  }
0x14c: {  	v0 =	vand.u32 $0xFFFF0000, v0;
	[tilespmem:s23+$0xFFFFFE20] =	vst.add.f32.msk $0xffff, v1  }
0x14d: {  	v1 =	vshll.u32 v2, $0x10;
	[tilespmem:s23+$0xFFFFFE60] =	vst.add.f32.msk $0xffff, v0  }
0x14e: {  	v0 =	vand.u32 $0xFFFF0000, v2;
	[tilespmem:s23+$0xFFFFFEA0] =	vst.add.f32.msk $0xffff, v1  }
0x14f: {  	[tilespmem:s23+$0xFFFFFEE0] =	vst.add.f32.msk $0xffff, v0  }
0x150: {  	v0 =	vshll.u32 v3, $0x10;
	v1 =	vld [tilespmem:s15+$0xFFFFFFA0]  }
0x151: {  	[tilespmem:s23+$0xFFFFFF20] =	vst.add.f32.msk $0xffff, v0  }
0x152: {  	v0 =	vand.u32 $0xFFFF0000, v3;
	v2 =	vld [tilespmem:s15+$0xFFFFFFE0]  }
0x153: {  	[tilespmem:s23+$0xFFFFFF60] =	vst.add.f32.msk $0xffff, v0  }
0x154: {  	v3 =	vld [tilespmem:s15+$0x20];
	v0 =	vand.u32 $0xFFFF0000, v4  }
0x155: {  	[tilespmem:s23+$0x0] =	vst.add.f32.msk $0xffff, v0;
	v0 =	vshll.u32 v1, $0x10  }
0x156: {  	v1 =	vand.u32 $0xFFFF0000, v1;
	[tilespmem:s23+$0xFFFFFE30] =	vst.add.f32.msk $0xffff, v0  }
0x157: {  	v0 =	vshll.u32 v2, $0x10;
	[tilespmem:s23+$0xFFFFFE70] =	vst.add.f32.msk $0xffff, v1  }
0x158: {  	v1 =	vand.u32 $0xFFFF0000, v2;
	[tilespmem:s23+$0xFFFFFEB0] =	vst.add.f32.msk $0xffff, v0  }
0x159: {  	[tilespmem:s23+$0xFFFFFEF0] =	vst.add.f32.msk $0xffff, v1  }
0x15a: {  	v2 =	vld [tilespmem:s15+$0xFFFFFFB0];
	v0 =	vshll.u32 v3, $0x10  }
0x15b: {  	v1 =	vand.u32 $0xFFFF0000, v3;
	[tilespmem:s23+$0xFFFFFF30] =	vst.add.f32.msk $0xffff, v0  }
0x15c: {  	[tilespmem:s23+$0xFFFFFF70] =	vst.add.f32.msk $0xffff, v1  }
0x15d: {  	v1 =	vld [tilespmem:s15+$0xFFFFFFF0]  }
0x15e: {  	v3 =	vshll.u32 v4, $0x10;
	v0 =	vld [tilespmem:s15+$0x30]  }
0x15f: {  	s13 =	simm.s32 $0x0;
	s14 =	simm.s32 $0x85F0;
	[tilespmem:s23+$0xFFFFFFC0] =	vst.add.f32.msk $0xffff, v3;
	s15 =	simm.s32 $0x14580  }
.LBB2_7:
0x160: {  	v3 =	vld [tilespmem:s15+$0x40]  }
0x161: {  	v4 =	vld [tilespmem:s15+$0xFFFFFFC0];
	v5 =	vshll.u32 v2, $0x10;
	v2 =	vand.u32 $0xFFFF0000, v2  }
0x162: {  	v6 =	vld [tilespmem:s15+$0x0];
	v7 =	vshll.u32 v1, $0x10;
	v1 =	vand.u32 $0xFFFF0000, v1  }
0x163: {  	s13 =	sadd.s32 $0x4, s13;
	v8 =	vld [tilespmem:s15+$0xFFFFFF80];
	v9 =	vshll.u32 v0, $0x10;
	v0 =	vand.u32 $0xFFFF0000, v0  }
0x164: {  	p1 =	slt.u32 s13, $0x7C;
	[tilespmem:s23+$0xFFFFFE40] =	vst.add.f32.msk $0xffff, v5  }
0x165: {  	s23 =	sadd.s32 $0x200, s23;
	v5 =	vshll.u32 v3, $0x10;
	[tilespmem:s14+$0xFFFFFE80] =	vst.add.f32.msk $0xffff, v2  }
0x166: {  	v3 =	vand.u32 $0xFFFF0000, v3;
	v2 =	vshll.u32 v4, $0x10;
	v4 =	vand.u32 $0xFFFF0000, v4;
	[tilespmem:s23+$0xFFFFFF90] =	vst.add.f32.msk $0xffff, v5  }
0x167: {  	v5 =	vshll.u32 v6, $0x10;
	v6 =	vand.u32 $0xFFFF0000, v6;
	[tilespmem:s23+$0xFFFFFFD0] =	vst.add.f32.msk $0xffff, v3  }
0x168: {  	v3 =	vshll.u32 v8, $0x10;
	v8 =	vand.u32 $0xFFFF0000, v8;
	v10 =	vld [tilespmem:s15+$0x50]  }
0x169: {  	[tilespmem:s23+$0xFFFFFE10] =	vst.add.f32.msk $0xffff, v3  }
0x16a: {  	[tilespmem:s23+$0xFFFFFE50] =	vst.add.f32.msk $0xffff, v8  }
0x16b: {  	[tilespmem:s23+$0xFFFFFE90] =	vst.add.f32.msk $0xffff, v2  }
0x16c: {  	[tilespmem:s23+$0xFFFFFED0] =	vst.add.f32.msk $0xffff, v4  }
0x16d: {  	[tilespmem:s23+$0xFFFFFF10] =	vst.add.f32.msk $0xffff, v5;
	v2 =	vshll.u32 v10, $0x10  }
0x16e: {  	v3 =	vand.u32 $0xFFFF0000, v10;
	[tilespmem:s23+$0xFFFFFFA0] =	vst.add.f32.msk $0xffff, v2  }
0x16f: {  	[tilespmem:s23+$0xFFFFFFE0] =	vst.add.f32.msk $0xffff, v3  }
0x170: {  	v2 =	vld [tilespmem:s15+$0x60]  }
0x171: {  	[tilespmem:s23+$0xFFFFFF50] =	vst.add.f32.msk $0xffff, v6  }
0x172: {  	v3 =	vld [tilespmem:s15+$0xFFFFFF90]  }
0x173: {  	v4 =	vld [tilespmem:s15+$0xFFFFFFD0]  }
0x174: {  	v5 =	vld [tilespmem:s15+$0x10]  }
0x175: {  	v6 =	vshll.u32 v2, $0x10;
	[tilespmem:s14+$0xFFFFFEC0] =	vst.add.f32.msk $0xffff, v7  }
0x176: {  	v2 =	vand.u32 $0xFFFF0000, v2;
	[tilespmem:s23+$0xFFFFFFB0] =	vst.add.f32.msk $0xffff, v6  }
0x177: {  	v6 =	vshll.u32 v3, $0x10;
	v3 =	vand.u32 $0xFFFF0000, v3;
	[tilespmem:s23+$0xFFFFFFF0] =	vst.add.f32.msk $0xffff, v2  }
0x178: {  	v2 =	vshll.u32 v4, $0x10;
	v4 =	vand.u32 $0xFFFF0000, v4;
	v7 =	vld [tilespmem:s15+$0x70]  }
0x179: {  	[tilespmem:s23+$0xFFFFFE20] =	vst.add.f32.msk $0xffff, v6;
	v6 =	vshll.u32 v5, $0x10;
	v5 =	vand.u32 $0xFFFF0000, v5  }
0x17a: {  	[tilespmem:s23+$0xFFFFFE60] =	vst.add.f32.msk $0xffff, v3  }
0x17b: {  	[tilespmem:s23+$0xFFFFFEA0] =	vst.add.f32.msk $0xffff, v2  }
0x17c: {  	[tilespmem:s23+$0xFFFFFEE0] =	vst.add.f32.msk $0xffff, v4  }
0x17d: {  	[tilespmem:s23+$0xFFFFFF20] =	vst.add.f32.msk $0xffff, v6;
	v3 =	vshll.u32 v7, $0x10;
	v2 =	vand.u32 $0xFFFF0000, v7  }
0x17e: {  	[tilespmem:s23+$0x0] =	vst.add.f32.msk $0xffff, v2  }
0x17f: {  	[tilespmem:s23+$0xFFFFFF60] =	vst.add.f32.msk $0xffff, v5  }
0x180: {  	v2 =	vld [tilespmem:s15+$0xFFFFFFA0]  }
0x181: {  	v4 =	vld [tilespmem:s15+$0xFFFFFFE0]  }
0x182: {  	v5 =	vld [tilespmem:s15+$0x20]  }
0x183: {  	[tilespmem:s14+$0xFFFFFF00] =	vst.add.f32.msk $0xffff, v1  }
0x184: {  	[tilespmem:s14+$0xFFFFFF40] =	vst.add.f32.msk $0xffff, v9  }
0x185: {  	v1 =	vshll.u32 v2, $0x10;
	v2 =	vand.u32 $0xFFFF0000, v2;
	[tilespmem:s14+$0xFFFFFF80] =	vst.add.f32.msk $0xffff, v0;
	s14 =	smov.u32 s23  }
0x186: {  	[tilespmem:s23+$0xFFFFFE30] =	vst.add.f32.msk $0xffff, v1;
	v0 =	vshll.u32 v4, $0x10;
	v1 =	vand.u32 $0xFFFF0000, v4  }
0x187: {  	[tilespmem:s23+$0xFFFFFE70] =	vst.add.f32.msk $0xffff, v2;
	v2 =	vshll.u32 v5, $0x10;
	v4 =	vand.u32 $0xFFFF0000, v5  }
0x188: {  	[tilespmem:s23+$0xFFFFFEB0] =	vst.add.f32.msk $0xffff, v0  }
0x189: {  	[tilespmem:s23+$0xFFFFFEF0] =	vst.add.f32.msk $0xffff, v1  }
0x18a: {  	[tilespmem:s23+$0xFFFFFF30] =	vst.add.f32.msk $0xffff, v2  }
.Ltmp2:
0x18b: {  	[tilespmem:s23+$0xFFFFFF70] =	vst.add.f32.msk $0xffff, v4;
	(pc) =	sbr.rel @p1 .LBB2_7-.Ltmp2, $4  }
0x18c: {  	v2 =	vld [tilespmem:s15+$0xFFFFFFB0]  }
0x18d: {  	v1 =	vld [tilespmem:s15+$0xFFFFFFF0]  }
0x18e: {  	v0 =	vld [tilespmem:s15+$0x30]  }
0x18f: {  	s15 =	sadd.s32 $0x100, s15;
	[tilespmem:s23+$0xFFFFFFC0] =	vst.add.f32.msk $0xffff, v3  }
0x190: {  	_ = 	snop  }
0x191: {  	v3 =	vshll.u32 v2, $0x10  }
0x192: {  	v2 =	vand.u32 $0xFFFF0000, v2;
	[tilespmem:s23+$0xFFFFFE40] =	vst.add.f32.msk $0xffff, v3  }
0x193: {  	v3 =	vshll.u32 v1, $0x10;
	[tilespmem:s14+$0xFFFFFE80] =	vst.add.f32.msk $0xffff, v2  }
0x194: {  	v1 =	vand.u32 $0xFFFF0000, v1;
	[tilespmem:s14+$0xFFFFFEC0] =	vst.add.f32.msk $0xffff, v3  }
0x195: {  	v2 =	vshll.u32 v0, $0x10;
	[tilespmem:s14+$0xFFFFFF00] =	vst.add.f32.msk $0xffff, v1  }
0x196: {  	s13 =	sshll.u32 s18, $0xB;
	v0 =	vand.u32 $0xFFFF0000, v0;
	[tilespmem:s14+$0xFFFFFF40] =	vst.add.f32.msk $0xffff, v2  }
0x197: {  	s13 =	sadd.s32 s13, s16;
	[tilespmem:s14+$0xFFFFFF80] =	vst.add.f32.msk $0xffff, v0  }
0x198: {  	[hbm4b:s13+s3] =	stream.linear.scatter [tilespmem:s4], [sflag:$0x7], $0x4000, $0x38;
	[tilespmem:$0x18400] =	vst v63  }
0x199: {  	s13 =	simm.s32 @!p0 $0x5  }
0x19a: {  	_ =	swait.ge @!p0 [sflag:s13], $0x4000  }
0x19b: {  	[sflag:s13] =	ssyncset.done @!p0 $0x0  }
0x19c: {  	[sflag:s13] =	ssyncadd.s32 @!p0 $0xFFFFC000;
	s13 =	simm.s32 @!p0 $0x9  }
0x19d: {  	_ =	swait.ge @!p0 [sflag:s13], $0x80  }
0x19e: {  	[sflag:s13] =	ssyncset.done @!p0 $0x0  }
0x19f: {  	[sflag:s13] =	ssyncadd.s32 @!p0 $0xFFFFFF80  }
0x1a0: {  	_ =	swait.ge @!p0 [sflag:s13], $0x80  }
0x1a1: {  	s15 =	simm.s32 @!p0 $0x400;
	[sflag:s13] =	ssyncset.done @!p0 $0x0  }
0x1a2: {  	s14 =	simm.s32 @!p0 $0x0;
	[sflag:s13] =	ssyncadd.s32 @!p0 $0xFFFFFF80;
	s13 =	simm.s32 @!p0 $0x80  }
0x1a3: {  	[tilespmem:s15], [sflag:$0x1] =	stream.indirect.gather @!p0 [hbm4b:s1+s13], $0x80, s14, s13, $0xb8;
	[tilespmem:$0x18400] =	vst v63  }
0x1a4: {  	s18 =	simm.s32 @!p0 $0x10400;
	s15 =	simm.s32 @!p0 $0x200  }
0x1a5: {  	[tilespmem:s18], [sflag:$0x1] =	stream.indirect.gather @!p0 [hbm4b:s5+s13], $0x40, s15, s13, $0xb8;
	[tilespmem:$0x18400] =	vst v63  }
0x1a6: {  	s15 =	rddreg [dreg:$0xa]  }
0x1a7: {  	s15 =	sadd.s32 @!p0 s21, s15  }
0x1a8: {  	s15 =	sshrl.u32 @!p0 s15, $0x3  }
0x1a9: {  	s18 =	sadd.s32 @!p0 s6, s15  }
0x1aa: {  	[tilespmem:s13], [sflag:$0xA] =	stream.linear.gather @!p0 [hbm4b:s18+s14], $0x80, $0x38;
	[tilespmem:$0x18400] =	vst v63  }
0x1ab: {  	s13 =	sadd.s32 @!p0 s8, s15;
	s15 =	simm.s32 @!p0 $0x280  }
0x1ac: {  	[tilespmem:s15], [sflag:$0xA] =	stream.linear.gather @!p0 [hbm4b:s13+s14], $0x80, $0x38;
	[tilespmem:$0x18400] =	vst v63  }
0x1ad: {  	_ =	swait.ge [sflag:s2], $0x4000  }
0x1ae: {  	[sflag:s2] =	ssyncset.done $0x0  }
0x1af: {  	[sflag:s2] =	ssyncadd.s32 $0xFFFFC000  }
0x1b0: {  	_ =	swait.ge [sflag:s2], $0x2000  }
0x1b1: {  	[sflag:s2] =	ssyncset.done $0x0  }
0x1b2: {  	s23 =	simm.s32 $0x16480;
	[sflag:s2] =	ssyncadd.s32 $0xFFFFE000  }
0x1b3: {  	v0 =	vld [tilespmem:s23+$0x40];
	_ =	sdelay $0x3  }
0x1b4: {  	v1 =	vld [tilespmem:s23+$0xFFFFFF80]  }
0x1b5: {  	s18 =	simm.s32 $0xC5F0;
	v2 =	vld [tilespmem:s23+$0xFFFFFFC0];
	v3 =	vshll.u32 v0, $0x10  }
0x1b6: {  	v0 =	vand.u32 $0xFFFF0000, v0;
	[tilespmem:s18+$0xFFFFFF90] =	vst.add.f32.msk $0xffff, v3  }
0x1b7: {  	[tilespmem:s18+$0xFFFFFFD0] =	vst.add.f32.msk $0xffff, v0  }
0x1b8: {  	v0 =	vld [tilespmem:s23+$0x50]  }
0x1b9: {  	v4 =	vshll.u32 v1, $0x10;
	v3 =	vld [tilespmem:s23+$0x0]  }
0x1ba: {  	v1 =	vand.u32 $0xFFFF0000, v1;
	[tilespmem:s18+$0xFFFFFE10] =	vst.add.f32.msk $0xffff, v4  }
0x1bb: {  	v62 =	vshll.u32 v2, $0x10;
	[tilespmem:s18+$0xFFFFFE50] =	vst.add.f32.msk $0xffff, v1  }
0x1bc: {  	v1 =	vand.u32 $0xFFFF0000, v2;
	[tilespmem:s18+$0xFFFFFE90] =	vst.add.f32.msk $0xffff, v62  }
0x1bd: {  	[tilespmem:s18+$0xFFFFFED0] =	vst.add.f32.msk $0xffff, v1;
	v1 =	vshll.u32 v0, $0x10  }
0x1be: {  	v0 =	vand.u32 $0xFFFF0000, v0;
	[tilespmem:s18+$0xFFFFFFA0] =	vst.add.f32.msk $0xffff, v1  }
0x1bf: {  	[tilespmem:s18+$0xFFFFFFE0] =	vst.add.f32.msk $0xffff, v0  }
0x1c0: {  	v2 =	vand.u32 $0xFFFF0000, v3;
	v1 =	vld [tilespmem:s23+$0x60]  }
0x1c1: {  	[tilespmem:s18+$0xFFFFFF50] =	vst.add.f32.msk $0xffff, v2;
	v0 =	vshll.u32 v3, $0x10  }
0x1c2: {  	[tilespmem:s18+$0xFFFFFF10] =	vst.add.f32.msk $0xffff, v0  }
0x1c3: {  	v0 =	vld [tilespmem:s23+$0xFFFFFF90]  }
0x1c4: {  	v2 =	vld [tilespmem:s23+$0xFFFFFFD0]  }
0x1c5: {  	v3 =	vld [tilespmem:s23+$0x10];
	v63 =	vshll.u32 v1, $0x10  }
0x1c6: {  	v1 =	vand.u32 $0xFFFF0000, v1;
	[tilespmem:s18+$0xFFFFFFB0] =	vst.add.f32.msk $0xffff, v63  }
0x1c7: {  	[tilespmem:s18+$0xFFFFFFF0] =	vst.add.f32.msk $0xffff, v1  }
0x1c8: {  	v1 =	vshll.u32 v0, $0x10;
	v4 =	vld [tilespmem:s23+$0x70]  }
0x1c9: {  	v0 =	vand.u32 $0xFFFF0000, v0;
	[tilespmem:s18+$0xFFFFFE20] =	vst.add.f32.msk $0xffff, v1  }
0x1ca: {  	v1 =	vshll.u32 v2, $0x10;
	[tilespmem:s18+$0xFFFFFE60] =	vst.add.f32.msk $0xffff, v0  }
0x1cb: {  	v0 =	vand.u32 $0xFFFF0000, v2;
	[tilespmem:s18+$0xFFFFFEA0] =	vst.add.f32.msk $0xffff, v1  }
0x1cc: {  	[tilespmem:s18+$0xFFFFFEE0] =	vst.add.f32.msk $0xffff, v0  }
0x1cd: {  	v0 =	vshll.u32 v3, $0x10;
	v1 =	vld [tilespmem:s23+$0xFFFFFFA0]  }
0x1ce: {  	[tilespmem:s18+$0xFFFFFF20] =	vst.add.f32.msk $0xffff, v0  }
0x1cf: {  	v0 =	vand.u32 $0xFFFF0000, v3;
	v2 =	vld [tilespmem:s23+$0xFFFFFFE0]  }
0x1d0: {  	[tilespmem:s18+$0xFFFFFF60] =	vst.add.f32.msk $0xffff, v0  }
0x1d1: {  	v3 =	vld [tilespmem:s23+$0x20];
	v0 =	vand.u32 $0xFFFF0000, v4  }
0x1d2: {  	[tilespmem:s18+$0x0] =	vst.add.f32.msk $0xffff, v0;
	v0 =	vshll.u32 v1, $0x10  }
0x1d3: {  	v1 =	vand.u32 $0xFFFF0000, v1;
	[tilespmem:s18+$0xFFFFFE30] =	vst.add.f32.msk $0xffff, v0  }
0x1d4: {  	v0 =	vshll.u32 v2, $0x10;
	[tilespmem:s18+$0xFFFFFE70] =	vst.add.f32.msk $0xffff, v1  }
0x1d5: {  	v1 =	vand.u32 $0xFFFF0000, v2;
	[tilespmem:s18+$0xFFFFFEB0] =	vst.add.f32.msk $0xffff, v0  }
0x1d6: {  	[tilespmem:s18+$0xFFFFFEF0] =	vst.add.f32.msk $0xffff, v1  }
0x1d7: {  	v2 =	vld [tilespmem:s23+$0xFFFFFFB0];
	v0 =	vshll.u32 v3, $0x10  }
0x1d8: {  	v1 =	vand.u32 $0xFFFF0000, v3;
	[tilespmem:s18+$0xFFFFFF30] =	vst.add.f32.msk $0xffff, v0  }
0x1d9: {  	[tilespmem:s18+$0xFFFFFF70] =	vst.add.f32.msk $0xffff, v1  }
0x1da: {  	v1 =	vld [tilespmem:s23+$0xFFFFFFF0]  }
0x1db: {  	v3 =	vshll.u32 v4, $0x10;
	v0 =	vld [tilespmem:s23+$0x30]  }
0x1dc: {  	s13 =	simm.s32 $0x0;
	s15 =	simm.s32 $0x16580;
	s14 =	simm.s32 $0xC5F0;
	[tilespmem:s18+$0xFFFFFFC0] =	vst.add.f32.msk $0xffff, v3  }
.LBB2_9:
0x1dd: {  	v3 =	vld [tilespmem:s15+$0x40]  }
0x1de: {  	v4 =	vld [tilespmem:s15+$0xFFFFFFC0];
	v5 =	vshll.u32 v2, $0x10;
	v2 =	vand.u32 $0xFFFF0000, v2  }
0x1df: {  	v6 =	vld [tilespmem:s15+$0x0];
	v7 =	vshll.u32 v1, $0x10;
	v1 =	vand.u32 $0xFFFF0000, v1  }
0x1e0: {  	s13 =	sadd.s32 $0x4, s13;
	v8 =	vld [tilespmem:s15+$0xFFFFFF80];
	v9 =	vshll.u32 v0, $0x10;
	v0 =	vand.u32 $0xFFFF0000, v0  }
0x1e1: {  	p0 =	slt.u32 s13, $0x7C;
	[tilespmem:s18+$0xFFFFFE40] =	vst.add.f32.msk $0xffff, v5  }
0x1e2: {  	s18 =	sadd.s32 $0x200, s18;
	v5 =	vshll.u32 v3, $0x10;
	[tilespmem:s14+$0xFFFFFE80] =	vst.add.f32.msk $0xffff, v2  }
0x1e3: {  	v3 =	vand.u32 $0xFFFF0000, v3;
	v2 =	vshll.u32 v4, $0x10;
	v4 =	vand.u32 $0xFFFF0000, v4;
	[tilespmem:s18+$0xFFFFFF90] =	vst.add.f32.msk $0xffff, v5  }
0x1e4: {  	v5 =	vshll.u32 v6, $0x10;
	v6 =	vand.u32 $0xFFFF0000, v6;
	[tilespmem:s18+$0xFFFFFFD0] =	vst.add.f32.msk $0xffff, v3  }
0x1e5: {  	v3 =	vshll.u32 v8, $0x10;
	v8 =	vand.u32 $0xFFFF0000, v8;
	v10 =	vld [tilespmem:s15+$0x50]  }
0x1e6: {  	[tilespmem:s18+$0xFFFFFE10] =	vst.add.f32.msk $0xffff, v3  }
0x1e7: {  	[tilespmem:s18+$0xFFFFFE50] =	vst.add.f32.msk $0xffff, v8  }
0x1e8: {  	[tilespmem:s18+$0xFFFFFE90] =	vst.add.f32.msk $0xffff, v2  }
0x1e9: {  	[tilespmem:s18+$0xFFFFFED0] =	vst.add.f32.msk $0xffff, v4  }
0x1ea: {  	[tilespmem:s18+$0xFFFFFF10] =	vst.add.f32.msk $0xffff, v5;
	v2 =	vshll.u32 v10, $0x10  }
0x1eb: {  	v3 =	vand.u32 $0xFFFF0000, v10;
	[tilespmem:s18+$0xFFFFFFA0] =	vst.add.f32.msk $0xffff, v2  }
0x1ec: {  	[tilespmem:s18+$0xFFFFFFE0] =	vst.add.f32.msk $0xffff, v3  }
0x1ed: {  	v2 =	vld [tilespmem:s15+$0x60]  }
0x1ee: {  	[tilespmem:s18+$0xFFFFFF50] =	vst.add.f32.msk $0xffff, v6  }
0x1ef: {  	v3 =	vld [tilespmem:s15+$0xFFFFFF90]  }
0x1f0: {  	v4 =	vld [tilespmem:s15+$0xFFFFFFD0]  }
0x1f1: {  	v5 =	vld [tilespmem:s15+$0x10]  }
0x1f2: {  	v6 =	vshll.u32 v2, $0x10;
	[tilespmem:s14+$0xFFFFFEC0] =	vst.add.f32.msk $0xffff, v7  }
0x1f3: {  	v2 =	vand.u32 $0xFFFF0000, v2;
	[tilespmem:s18+$0xFFFFFFB0] =	vst.add.f32.msk $0xffff, v6  }
0x1f4: {  	v6 =	vshll.u32 v3, $0x10;
	v3 =	vand.u32 $0xFFFF0000, v3;
	[tilespmem:s18+$0xFFFFFFF0] =	vst.add.f32.msk $0xffff, v2  }
0x1f5: {  	v2 =	vshll.u32 v4, $0x10;
	v4 =	vand.u32 $0xFFFF0000, v4;
	v7 =	vld [tilespmem:s15+$0x70]  }
0x1f6: {  	[tilespmem:s18+$0xFFFFFE20] =	vst.add.f32.msk $0xffff, v6;
	v6 =	vshll.u32 v5, $0x10;
	v5 =	vand.u32 $0xFFFF0000, v5  }
0x1f7: {  	[tilespmem:s18+$0xFFFFFE60] =	vst.add.f32.msk $0xffff, v3  }
0x1f8: {  	[tilespmem:s18+$0xFFFFFEA0] =	vst.add.f32.msk $0xffff, v2  }
0x1f9: {  	[tilespmem:s18+$0xFFFFFEE0] =	vst.add.f32.msk $0xffff, v4  }
0x1fa: {  	[tilespmem:s18+$0xFFFFFF20] =	vst.add.f32.msk $0xffff, v6;
	v3 =	vshll.u32 v7, $0x10;
	v2 =	vand.u32 $0xFFFF0000, v7  }
0x1fb: {  	[tilespmem:s18+$0x0] =	vst.add.f32.msk $0xffff, v2  }
0x1fc: {  	[tilespmem:s18+$0xFFFFFF60] =	vst.add.f32.msk $0xffff, v5  }
0x1fd: {  	v2 =	vld [tilespmem:s15+$0xFFFFFFA0]  }
0x1fe: {  	v4 =	vld [tilespmem:s15+$0xFFFFFFE0]  }
0x1ff: {  	v5 =	vld [tilespmem:s15+$0x20]  }
0x200: {  	[tilespmem:s14+$0xFFFFFF00] =	vst.add.f32.msk $0xffff, v1  }
0x201: {  	[tilespmem:s14+$0xFFFFFF40] =	vst.add.f32.msk $0xffff, v9  }
0x202: {  	v1 =	vshll.u32 v2, $0x10;
	v2 =	vand.u32 $0xFFFF0000, v2;
	[tilespmem:s14+$0xFFFFFF80] =	vst.add.f32.msk $0xffff, v0;
	s14 =	smov.u32 s18  }
0x203: {  	[tilespmem:s18+$0xFFFFFE30] =	vst.add.f32.msk $0xffff, v1;
	v0 =	vshll.u32 v4, $0x10;
	v1 =	vand.u32 $0xFFFF0000, v4  }
0x204: {  	[tilespmem:s18+$0xFFFFFE70] =	vst.add.f32.msk $0xffff, v2;
	v2 =	vshll.u32 v5, $0x10;
	v4 =	vand.u32 $0xFFFF0000, v5  }
0x205: {  	[tilespmem:s18+$0xFFFFFEB0] =	vst.add.f32.msk $0xffff, v0  }
0x206: {  	[tilespmem:s18+$0xFFFFFEF0] =	vst.add.f32.msk $0xffff, v1  }
0x207: {  	[tilespmem:s18+$0xFFFFFF30] =	vst.add.f32.msk $0xffff, v2  }
.Ltmp3:
0x208: {  	[tilespmem:s18+$0xFFFFFF70] =	vst.add.f32.msk $0xffff, v4;
	(pc) =	sbr.rel @p0 .LBB2_9-.Ltmp3, $4  }
0x209: {  	v2 =	vld [tilespmem:s15+$0xFFFFFFB0]  }
0x20a: {  	v1 =	vld [tilespmem:s15+$0xFFFFFFF0]  }
0x20b: {  	v0 =	vld [tilespmem:s15+$0x30]  }
0x20c: {  	s15 =	sadd.s32 $0x100, s15;
	[tilespmem:s18+$0xFFFFFFC0] =	vst.add.f32.msk $0xffff, v3  }
0x20d: {  	_ = 	snop  }
0x20e: {  	v3 =	vshll.u32 v2, $0x10  }
0x20f: {  	s28 =	sadd.s32 $0x1, s28;
	v59 =	vand.u32 $0xFFFF0000, v2;
	[tilespmem:s18+$0xFFFFFE40] =	vst.add.f32.msk $0xffff, v3  }
0x210: {  	p0 =	sne.s32 s28, $0x20;
	v60 =	vshll.u32 v1, $0x10;
	[tilespmem:s14+$0xFFFFFE80] =	vst.add.f32.msk $0xffff, v59  }
.Ltmp4:
0x211: {  	v61 =	vand.u32 $0xFFFF0000, v1;
	[tilespmem:s14+$0xFFFFFEC0] =	vst.add.f32.msk $0xffff, v60;
	(pc) =	sbr.rel @p0 .LBB2_2-.Ltmp4, $4  }
0x212: {  	v62 =	vshll.u32 v0, $0x10;
	[tilespmem:s14+$0xFFFFFF00] =	vst.add.f32.msk $0xffff, v61  }
0x213: {  	s13 =	sshll.u32 s24, $0xB;
	v63 =	vand.u32 $0xFFFF0000, v0;
	[tilespmem:s14+$0xFFFFFF40] =	vst.add.f32.msk $0xffff, v62  }
0x214: {  	s13 =	sadd.s32 s13, s16;
	[tilespmem:s14+$0xFFFFFF80] =	vst.add.f32.msk $0xffff, v63  }
0x215: {  	[hbm4b:s13+s3] =	stream.linear.scatter [tilespmem:s12], [sflag:$0x8], $0x4000, $0x38;
	[tilespmem:$0x18400] =	vst v63  }
0x216: {  	s13 =	simm.s32 $0x5  }
0x217: {  	_ =	swait.ge [sflag:s13], $0x4000  }
0x218: {  	[sflag:s13] =	ssyncset.done $0x0  }
0x219: {  	s23 =	simm.s32 $0x6;
	[sflag:s13] =	ssyncadd.s32 $0xFFFFC000  }
0x21a: {  	_ =	swait.ge [sflag:s23], $0x4000  }
0x21b: {  	[sflag:s23] =	ssyncset.done $0x0  }
0x21c: {  	s24 =	simm.s32 $0x7;
	[sflag:s23] =	ssyncadd.s32 $0xFFFFC000  }
0x21d: {  	_ =	swait.ge [sflag:s24], $0x4000  }
0x21e: {  	[sflag:s24] =	ssyncset.done $0x0  }
0x21f: {  	s14 =	simm.s32 $0x8;
	[sflag:s24] =	ssyncadd.s32 $0xFFFFC000  }
0x220: {  	_ =	swait.ge [sflag:s14], $0x4000  }
0x221: {  	s15 =	rddreg [dreg:$0xc]  }
0x222: {  	s28 =	rddreg [dreg:$0xb];
	s15 =	sadd.s32 $0x1, s15  }
0x223: {  	p0 =	sne.s32 s15, s28  }
.Ltmp5:
0x224: {  	_ = 	snop;
	(pc) =	sbr.rel @p0 .LBB2_1-.Ltmp5, $3  }
0x225: {  	_ =	sdelay $0x1  }
0x226: {  	[sflag:s14] =	ssyncset.done $0x0  }
0x227: {  	[sflag:s14] =	ssyncadd.s32 $0xFFFFC000  }
0x228: {  	_ =	sfence.sel $0x180000  }
0x229: {  	[bflag:$0x0] =	sbarrier.arrive $0xFFFF  }
0x22a: {  	_ =	strace $0x90000047  }
0x22b: {  	s0 =	stileid.u32;
	[bflag:$0x2] =	sbarrier.arrive $0xFFFF  }
0x22c: {  	p0 =	sne.s32 s0, $0x0;
	s0 =	rddreg [dreg:$0x3]  }
0x22d: {  	s0 =	sadd.s32 @!p0 $0x100000, s0  }
0x22e: {  	[sflag:s0] =	ssyncadd.tile.s32 @!p0 $0x1;
	_ =	shalt  }
.Lfunc_end2:
_tile_overlayer_lowered:
.L_overlay_start_2:
0x22f: {  	(tag) =	ssettag $0x2  }
0x230: {  	s0 =	rddreg [dreg:$0x0];
	s2 =	stileid.u32  }
0x231: {  	s1 =	rddreg [dreg:$0x1];
	p0 =	sne.s32 s2, $0x0  }
0x232: {  	s3 =	rddreg [dreg:$0x2];
	[bflag:$0x3] =	sbarrier.arrive $0xFFFF;
	s2 =	simm.s32 @!p0 $0x1C0D  }
0x233: {  	[timem:s3], [sflag:s2] =	dma.local @!p0 [hbm:s0], s1  }
0x234: {  	s0 =	simm.s32 @!p0 $0xD  }
0x235: {  	_ =	swait.ge @!p0 [sflag:s0], s1  }
0x236: {  	s1 =	ssub.s32 @!p0 $0x0, s1;
	[sflag:s0] =	ssyncset.done @!p0 $0x0  }
0x237: {  	[sflag:s0] =	ssyncadd.s32 @!p0 s1  }
0x238: {  	[bflag:$0x3] =	sbarrier.arrive $0xFFFF  }
0x239: {  	_ =	shalt  }

</sc_bundles>
